<compile_context>
chip_gen: v7x
topology: tpu7x:2x2x1
jax: 0.10.2.dev20260603
libtpu: 0.0.44.dev20260713+nightly
codegen_flags: <defaults>
</compile_context>

<pallas_src>
import jax
import jax.numpy as jnp
from jax.experimental import pallas as pl
from jax.experimental.pallas import tpu as pltpu
from jax.experimental.pallas import tpu_sc as plsc

_N1 = 10000
_N2 = 10000
_D = 64
_K = 3
_N1P = 10240
_N2P = 10240
_BQ = 256
_BC = 512
_PAD_COORD = 1.0e6
_BIG = 3.0e38

_DP = 128
_NW = 32
_RPW = _N2P * _K // _NW
_CHUNK = 120
_NCH = _RPW // _CHUNK


def _warp_body(c_ref, flow_ref, out_ref):
    out_ref[...] = c_ref[...] + flow_ref[...]


def _knn_body(q_ref, srcT_ref, idx_ref):
    q = q_ref[...]
    srcT = srcT_ref[...]

    sx = srcT[0:1, :]
    sy = srcT[1:2, :]
    sz = srcT[2:3, :]
    src_sq = (sx * sx + sy * sy) + sz * sz

    qx = q[:, 0:1]
    qy = q[:, 1:2]
    qz = q[:, 2:3]
    q_sq = (qx * qx + qy * qy) + qz * qz

    dot = jnp.dot(q, srcT, preferred_element_type=jnp.float32)
    d2 = (q_sq + src_sq) - 2.0 * dot

    lane = jax.lax.broadcasted_iota(jnp.int32, (_BQ, _N1P), 1)

    idxs = []
    for _ in range(_K):
        idx = jnp.argmin(d2, axis=1)[:, None].astype(jnp.int32)
        d2 = jnp.where(lane == idx, _BIG, d2)
        idxs.append(idx)

    idx_ref[...] = jnp.concatenate(idxs, axis=1)


def _gather_body(table_hbm, idx_hbm, out_hbm, idx_v, rows_v, sem):
    wid = jax.lax.axis_index("s") * 2 + jax.lax.axis_index("c")
    base = wid * _RPW
    for c in range(_NCH):
        off = base + c * _CHUNK
        pltpu.sync_copy(idx_hbm.at[pl.ds(off, _CHUNK)], idx_v)
        pltpu.async_copy(table_hbm.at[idx_v], rows_v, sem).wait()
        pltpu.sync_copy(rows_v, out_hbm.at[pl.ds(off, _CHUNK)])


def _combine_body(g_ref, q_ref, out_ref):
    g = g_ref[...]
    q = q_ref[...]
    qx = q[:, 0:1]
    qy = q[:, 1:2]
    qz = q[:, 2:3]
    rs = []
    for k in range(_K):
        dx = g[:, k * _DP + _D:k * _DP + _D + 1] - qx
        dy = g[:, k * _DP + _D + 1:k * _DP + _D + 2] - qy
        dz = g[:, k * _DP + _D + 2:k * _DP + _D + 3] - qz
        dist = jnp.sqrt((dx * dx + dy * dy) + dz * dz)
        rs.append(1.0 / jnp.maximum(dist, 1e-10))
    norm = (rs[0] + rs[1]) + rs[2]
    out_ref[...] = (g[:, 0:_D] * (rs[0] / norm)
                    + g[:, _DP:_DP + _D] * (rs[1] / norm)) \
        + g[:, 2 * _DP:2 * _DP + _D] * (rs[2] / norm)


def kernel(f_ref_C, f_ref_F, f_cur_C, point_flow):
    f_ref_warp = pl.pallas_call(
        _warp_body,
        grid=(5,),
        in_specs=[
            pl.BlockSpec((_N1 // 5, 3), lambda i: (i, 0)),
            pl.BlockSpec((_N1 // 5, 3), lambda i: (i, 0)),
        ],
        out_specs=pl.BlockSpec((_N1 // 5, 3), lambda i: (i, 0)),
        out_shape=jax.ShapeDtypeStruct((_N1, 3), jnp.float32),
    )(f_ref_C, point_flow)

    srcT = jnp.pad(f_ref_warp, ((0, _N1P - _N1), (0, 0)),
                   constant_values=_PAD_COORD).T
    q_pad = jnp.pad(f_cur_C, ((0, _N2P - _N2), (0, 0)))
    table = jnp.pad(jnp.concatenate([f_ref_F, f_ref_warp], axis=1),
                    ((0, 0), (0, _DP - _D - 3)))

    knn_idx = pl.pallas_call(
        _knn_body,
        grid=(_N2P // _BQ,),
        in_specs=[
            pl.BlockSpec((_BQ, 3), lambda i: (i, 0)),
            pl.BlockSpec((3, _N1P), lambda i: (0, 0)),
        ],
        out_specs=pl.BlockSpec((_BQ, _K), lambda i: (i, 0)),
        out_shape=jax.ShapeDtypeStruct((_N2P, _K), jnp.int32),
    )(q_pad, srcT)

    idx_flat = knn_idx.reshape(_N2P * _K)
    mesh = plsc.VectorSubcoreMesh(core_axis_name="c", subcore_axis_name="s")
    grouped = pl.kernel(
        _gather_body,
        mesh=mesh,
        out_type=jax.ShapeDtypeStruct((_N2P * _K, _DP), jnp.float32),
        scratch_types=[
            pltpu.VMEM((_CHUNK,), jnp.int32),
            pltpu.VMEM((_CHUNK, _DP), jnp.float32),
            pltpu.SemaphoreType.DMA,
        ],
    )(table, idx_flat)

    out = pl.pallas_call(
        _combine_body,
        grid=(_N2P // _BC,),
        in_specs=[
            pl.BlockSpec((_BC, _K * _DP), lambda i: (i, 0)),
            pl.BlockSpec((_BC, 3), lambda i: (i, 0)),
        ],
        out_specs=pl.BlockSpec((_BC, _D), lambda i: (i, 0)),
        out_shape=jax.ShapeDtypeStruct((_N2P, _D), jnp.float32),
    )(grouped.reshape(_N2P, _K * _DP), q_pad)

    return out[:_N2], f_ref_warp

# --- scband reference (transcript-rebuilt; emitter-appended) ---
"""Pipeline reference for scband-get-model-6047313953116 (READ-ONLY COPY).

The authoritative reference and input builder live on the scoring server;
editing this copy changes nothing except your own understanding.
"""

import jax, jax.numpy as jnp
import numpy as np

N1 = 10000
N2 = 10000
D_FEAT = 64
K_NN = 3


def setup_inputs(seed: int = 0) -> dict:
    key = jax.random.key(seed)
    k1, k2, k3, k4 = jax.random.split(key, 4)
    f_ref_C = jax.random.uniform(k1, (N1, 3), dtype=jnp.float32) * 100.0
    f_ref_F = jax.random.normal(k2, (N1, D_FEAT), dtype=jnp.float32)
    f_cur_C = jax.random.uniform(k3, (N2, 3), dtype=jnp.float32) * 100.0
    point_flow = jax.random.normal(k4, (N1, 3), dtype=jnp.float32)
    return {"f_ref_C": f_ref_C, "f_ref_F": f_ref_F, "f_cur_C": f_cur_C, "point_flow": point_flow}


def _knn_indices(src, query, k, chunk=2000):
    # For each query point, indices of the k nearest points in src (L2).
    src_sq = jnp.sum(src * src, axis=-1)  # [N1]
    idx_chunks = []
    n = query.shape[0]
    for s in range(0, n, chunk):
        q = query[s:s + chunk]
        q_sq = jnp.sum(q * q, axis=-1, keepdims=True)  # [c,1]
        d2 = q_sq + src_sq[None, :] - 2.0 * (q @ src.T)  # [c, N1]
        _, idx = jax.lax.top_k(-d2, k)
        idx_chunks.append(idx)
    return jnp.concatenate(idx_chunks, axis=0)  # [N2, k]


def reference(f_ref_C, f_ref_F, f_cur_C, point_flow):
    # flow_warp: f_ref coordinates displaced by the point flow
    f_ref_warp = f_ref_C + point_flow
    # pointWarping_feat: inverse-distance-weighted kNN feature warping
    xyz1_to_2 = f_ref_C + point_flow  # [N1, 3]
    knn_idx = _knn_indices(xyz1_to_2, f_cur_C, K_NN)  # [N2, 3] int32 (gather indices)
    grouped_xyz = jnp.take(xyz1_to_2, knn_idx, axis=0)  # [N2, 3, 3] gather
    grouped_xyz_norm = grouped_xyz - f_cur_C[:, None, :]
    dist = jnp.clip(jnp.linalg.norm(grouped_xyz_norm, axis=-1), 1e-10, None)  # [N2, 3]
    norm = jnp.sum(1.0 / dist, axis=1, keepdims=True)
    weight = (1.0 / dist) / norm  # [N2, 3]
    grouped_f_ref = jnp.take(f_ref_F, knn_idx, axis=0)  # [N2, 3, D] gather
    warp_f_ref = jnp.sum(weight[..., None] * grouped_f_ref, axis=1)  # [N2, D]
    return warp_f_ref, f_ref_warp

if __name__ == "__main__":
    import jax
    _d = setup_inputs()
    print(jax.jit(kernel)(*tuple(_d.values())))

</pallas_src>

<mosaic_0001>
#map = affine_map<(d0, d1) -> (0, 0)>
#map1 = affine_map<(d0, d1) -> (0)>
module attributes {stable_mosaic.version = 14 : i64} {
  func.func @_gather_body(%arg0: i32, %arg1: i32, %arg2: memref<10000x128xf32, #tpu.memory_space<hbm>>, %arg3: memref<30720xi32, #tpu.memory_space<hbm>>, %arg4: memref<30720x128xf32, #tpu.memory_space<hbm>>, %arg5: memref<120xi32, #tpu.memory_space<vmem>>, %arg6: memref<120x128xf32, #tpu.memory_space<vmem>>, %arg7: memref<!tpu.dma_semaphore, #tpu.memory_space<semaphore_mem>>) attributes {dimension_semantics = [#tpu.dimension_semantics<core_parallel>, #tpu.dimension_semantics<subcore_parallel>], iteration_bounds = array<i64: 2, 16>, scalar_prefetch = 0 : i64, scratch_operands = 3 : i64, tpu.core_type = #tpu.core_type<sc_vector_subcore>, window_params = [{transform_indices = #map}, {transform_indices = #map1}, {transform_indices = #map}]} {
    %mul3A = arith.constant 2 : i32
    %mul3A_0 = arith.muli %arg1, %mul3A : i32
    %add3A = arith.addi %mul3A_0, %arg0 : i32
    %mul3A_1 = arith.constant 960 : i32
    %mul3A_2 = arith.muli %add3A, %mul3A_1 : i32
    %add3A_3 = arith.constant 0 : i32
    %add3A_4 = arith.addi %mul3A_2, %add3A_3 : i32
    "tpu.region"() ({
      %run_scoped3A = tpu.sem_alloc : memref<!tpu.dma_semaphore, #tpu.memory_space<semaphore_mem>>
      %dma_start3A_65 = tpu.memref_slice %arg3[%add3A_4] : memref<30720xi32, #tpu.memory_space<hbm>> -> memref<120xi32, #tpu.memory_space<hbm>>
      %dma_start3A_66 = tpu.memref_slice %arg3[%add3A_4] : memref<30720xi32, #tpu.memory_space<hbm>> -> memref<120xi32, #tpu.memory_space<hbm>>
      tpu.enqueue_dma source(%dma_start3A_66 : memref<120xi32, #tpu.memory_space<hbm>>) target(%arg5 : memref<120xi32, #tpu.memory_space<vmem>>) target_semaphore(%run_scoped3A : memref<!tpu.dma_semaphore, #tpu.memory_space<semaphore_mem>>)
      %dma_wait3A_67 = tpu.memref_slice %arg3[%add3A_4] : memref<30720xi32, #tpu.memory_space<hbm>> -> memref<120xi32, #tpu.memory_space<hbm>>
      %dma_wait3A_68 = tpu.memref_slice %arg3[%add3A_4] : memref<30720xi32, #tpu.memory_space<hbm>> -> memref<120xi32, #tpu.memory_space<hbm>>
      tpu.wait_dma2 semaphore(%run_scoped3A : memref<!tpu.dma_semaphore, #tpu.memory_space<semaphore_mem>>) src(%dma_wait3A_68 : memref<120xi32, #tpu.memory_space<hbm>>) dst(%arg5 : memref<120xi32, #tpu.memory_space<vmem>>)
      tpu.yield
    }) : () -> ()
    %dma_start3A = arith.constant 0 : i32
    %dma_start3A_5 = arith.constant 0 : i32
    %dma_start3A_6 = tpu.memref_slice %arg2[%dma_start3A, %dma_start3A_5] : memref<10000x128xf32, #tpu.memory_space<hbm>> -> memref<10000x128xf32, #tpu.memory_space<hbm>>
    tpu.enqueue_indirect_dma source(%dma_start3A_6 : memref<10000x128xf32, #tpu.memory_space<hbm>>) target(%arg6 : memref<120x128xf32, #tpu.memory_space<vmem>>) offsets(%arg5 : memref<120xi32, #tpu.memory_space<vmem>>) semaphore(%arg7 : memref<!tpu.dma_semaphore, #tpu.memory_space<semaphore_mem>>)
    %dma_wait3A = arith.constant 0 : i32
    %dma_wait3A_7 = arith.constant 0 : i32
    %dma_wait3A_8 = tpu.memref_slice %arg2[%dma_wait3A, %dma_wait3A_7] : memref<10000x128xf32, #tpu.memory_space<hbm>> -> memref<10000x128xf32, #tpu.memory_space<hbm>>
    tpu.wait_indirect_dma semaphore(%arg7 : memref<!tpu.dma_semaphore, #tpu.memory_space<semaphore_mem>>) src(%dma_wait3A_8 : memref<10000x128xf32, #tpu.memory_space<hbm>>) dst(%arg6 : memref<120x128xf32, #tpu.memory_space<vmem>>)
    "tpu.region"() ({
      %run_scoped3A = tpu.sem_alloc : memref<!tpu.dma_semaphore, #tpu.memory_space<semaphore_mem>>
      %dma_start3A_65 = arith.constant 0 : i32
      %dma_start3A_66 = tpu.memref_slice %arg4[%add3A_4, %dma_start3A_65] : memref<30720x128xf32, #tpu.memory_space<hbm>> -> memref<120x128xf32, #tpu.memory_space<hbm>>
      %dma_start3A_67 = arith.constant 0 : i32
      %dma_start3A_68 = tpu.memref_slice %arg4[%add3A_4, %dma_start3A_67] : memref<30720x128xf32, #tpu.memory_space<hbm>> -> memref<120x128xf32, #tpu.memory_space<hbm>>
      tpu.enqueue_dma source(%arg6 : memref<120x128xf32, #tpu.memory_space<vmem>>) target(%dma_start3A_68 : memref<120x128xf32, #tpu.memory_space<hbm>>) target_semaphore(%run_scoped3A : memref<!tpu.dma_semaphore, #tpu.memory_space<semaphore_mem>>)
      %dma_wait3A_69 = arith.constant 0 : i32
      %dma_wait3A_70 = tpu.memref_slice %arg4[%add3A_4, %dma_wait3A_69] : memref<30720x128xf32, #tpu.memory_space<hbm>> -> memref<120x128xf32, #tpu.memory_space<hbm>>
      %dma_wait3A_71 = arith.constant 0 : i32
      %dma_wait3A_72 = tpu.memref_slice %arg4[%add3A_4, %dma_wait3A_71] : memref<30720x128xf32, #tpu.memory_space<hbm>> -> memref<120x128xf32, #tpu.memory_space<hbm>>
      tpu.wait_dma2 semaphore(%run_scoped3A : memref<!tpu.dma_semaphore, #tpu.memory_space<semaphore_mem>>) src(%arg6 : memref<120x128xf32, #tpu.memory_space<vmem>>) dst(%dma_wait3A_72 : memref<120x128xf32, #tpu.memory_space<hbm>>)
      tpu.yield
    }) : () -> ()
    %add3A_9 = arith.constant 120 : i32
    %add3A_10 = arith.addi %mul3A_2, %add3A_9 : i32
    "tpu.region"() ({
      %run_scoped3A = tpu.sem_alloc : memref<!tpu.dma_semaphore, #tpu.memory_space<semaphore_mem>>
      %dma_start3A_65 = tpu.memref_slice %arg3[%add3A_10] : memref<30720xi32, #tpu.memory_space<hbm>> -> memref<120xi32, #tpu.memory_space<hbm>>
      %dma_start3A_66 = tpu.memref_slice %arg3[%add3A_10] : memref<30720xi32, #tpu.memory_space<hbm>> -> memref<120xi32, #tpu.memory_space<hbm>>
      tpu.enqueue_dma source(%dma_start3A_66 : memref<120xi32, #tpu.memory_space<hbm>>) target(%arg5 : memref<120xi32, #tpu.memory_space<vmem>>) target_semaphore(%run_scoped3A : memref<!tpu.dma_semaphore, #tpu.memory_space<semaphore_mem>>)
      %dma_wait3A_67 = tpu.memref_slice %arg3[%add3A_10] : memref<30720xi32, #tpu.memory_space<hbm>> -> memref<120xi32, #tpu.memory_space<hbm>>
      %dma_wait3A_68 = tpu.memref_slice %arg3[%add3A_10] : memref<30720xi32, #tpu.memory_space<hbm>> -> memref<120xi32, #tpu.memory_space<hbm>>
      tpu.wait_dma2 semaphore(%run_scoped3A : memref<!tpu.dma_semaphore, #tpu.memory_space<semaphore_mem>>) src(%dma_wait3A_68 : memref<120xi32, #tpu.memory_space<hbm>>) dst(%arg5 : memref<120xi32, #tpu.memory_space<vmem>>)
      tpu.yield
    }) : () -> ()
    %dma_start3A_11 = arith.constant 0 : i32
    %dma_start3A_12 = arith.constant 0 : i32
    %dma_start3A_13 = tpu.memref_slice %arg2[%dma_start3A_11, %dma_start3A_12] : memref<10000x128xf32, #tpu.memory_space<hbm>> -> memref<10000x128xf32, #tpu.memory_space<hbm>>
    tpu.enqueue_indirect_dma source(%dma_start3A_13 : memref<10000x128xf32, #tpu.memory_space<hbm>>) target(%arg6 : memref<120x128xf32, #tpu.memory_space<vmem>>) offsets(%arg5 : memref<120xi32, #tpu.memory_space<vmem>>) semaphore(%arg7 : memref<!tpu.dma_semaphore, #tpu.memory_space<semaphore_mem>>)
    %dma_wait3A_14 = arith.constant 0 : i32
    %dma_wait3A_15 = arith.constant 0 : i32
    %dma_wait3A_16 = tpu.memref_slice %arg2[%dma_wait3A_14, %dma_wait3A_15] : memref<10000x128xf32, #tpu.memory_space<hbm>> -> memref<10000x128xf32, #tpu.memory_space<hbm>>
    tpu.wait_indirect_dma semaphore(%arg7 : memref<!tpu.dma_semaphore, #tpu.memory_space<semaphore_mem>>) src(%dma_wait3A_16 : memref<10000x128xf32, #tpu.memory_space<hbm>>) dst(%arg6 : memref<120x128xf32, #tpu.memory_space<vmem>>)
    "tpu.region"() ({
      %run_scoped3A = tpu.sem_alloc : memref<!tpu.dma_semaphore, #tpu.memory_space<semaphore_mem>>
      %dma_start3A_65 = arith.constant 0 : i32
      %dma_start3A_66 = tpu.memref_slice %arg4[%add3A_10, %dma_start3A_65] : memref<30720x128xf32, #tpu.memory_space<hbm>> -> memref<120x128xf32, #tpu.memory_space<hbm>>
      %dma_start3A_67 = arith.constant 0 : i32
      %dma_start3A_68 = tpu.memref_slice %arg4[%add3A_10, %dma_start3A_67] : memref<30720x128xf32, #tpu.memory_space<hbm>> -> memref<120x128xf32, #tpu.memory_space<hbm>>
      tpu.enqueue_dma source(%arg6 : memref<120x128xf32, #tpu.memory_space<vmem>>) target(%dma_start3A_68 : memref<120x128xf32, #tpu.memory_space<hbm>>) target_semaphore(%run_scoped3A : memref<!tpu.dma_semaphore, #tpu.memory_space<semaphore_mem>>)
      %dma_wait3A_69 = arith.constant 0 : i32
      %dma_wait3A_70 = tpu.memref_slice %arg4[%add3A_10, %dma_wait3A_69] : memref<30720x128xf32, #tpu.memory_space<hbm>> -> memref<120x128xf32, #tpu.memory_space<hbm>>
      %dma_wait3A_71 = arith.constant 0 : i32
      %dma_wait3A_72 = tpu.memref_slice %arg4[%add3A_10, %dma_wait3A_71] : memref<30720x128xf32, #tpu.memory_space<hbm>> -> memref<120x128xf32, #tpu.memory_space<hbm>>
      tpu.wait_dma2 semaphore(%run_scoped3A : memref<!tpu.dma_semaphore, #tpu.memory_space<semaphore_mem>>) src(%arg6 : memref<120x128xf32, #tpu.memory_space<vmem>>) dst(%dma_wait3A_72 : memref<120x128xf32, #tpu.memory_space<hbm>>)
      tpu.yield
    }) : () -> ()
    %add3A_17 = arith.constant 240 : i32
    %add3A_18 = arith.addi %mul3A_2, %add3A_17 : i32
    "tpu.region"() ({
      %run_scoped3A = tpu.sem_alloc : memref<!tpu.dma_semaphore, #tpu.memory_space<semaphore_mem>>
      %dma_start3A_65 = tpu.memref_slice %arg3[%add3A_18] : memref<30720xi32, #tpu.memory_space<hbm>> -> memref<120xi32, #tpu.memory_space<hbm>>
      %dma_start3A_66 = tpu.memref_slice %arg3[%add3A_18] : memref<30720xi32, #tpu.memory_space<hbm>> -> memref<120xi32, #tpu.memory_space<hbm>>
      tpu.enqueue_dma source(%dma_start3A_66 : memref<120xi32, #tpu.memory_space<hbm>>) target(%arg5 : memref<120xi32, #tpu.memory_space<vmem>>) target_semaphore(%run_scoped3A : memref<!tpu.dma_semaphore, #tpu.memory_space<semaphore_mem>>)
      %dma_wait3A_67 = tpu.memref_slice %arg3[%add3A_18] : memref<30720xi32, #tpu.memory_space<hbm>> -> memref<120xi32, #tpu.memory_space<hbm>>
      %dma_wait3A_68 = tpu.memref_slice %arg3[%add3A_18] : memref<30720xi32, #tpu.memory_space<hbm>> -> memref<120xi32, #tpu.memory_space<hbm>>
      tpu.wait_dma2 semaphore(%run_scoped3A : memref<!tpu.dma_semaphore, #tpu.memory_space<semaphore_mem>>) src(%dma_wait3A_68 : memref<120xi32, #tpu.memory_space<hbm>>) dst(%arg5 : memref<120xi32, #tpu.memory_space<vmem>>)
      tpu.yield
    }) : () -> ()
    %dma_start3A_19 = arith.constant 0 : i32
    %dma_start3A_20 = arith.constant 0 : i32
    %dma_start3A_21 = tpu.memref_slice %arg2[%dma_start3A_19, %dma_start3A_20] : memref<10000x128xf32, #tpu.memory_space<hbm>> -> memref<10000x128xf32, #tpu.memory_space<hbm>>
    tpu.enqueue_indirect_dma source(%dma_start3A_21 : memref<10000x128xf32, #tpu.memory_space<hbm>>) target(%arg6 : memref<120x128xf32, #tpu.memory_space<vmem>>) offsets(%arg5 : memref<120xi32, #tpu.memory_space<vmem>>) semaphore(%arg7 : memref<!tpu.dma_semaphore, #tpu.memory_space<semaphore_mem>>)
    %dma_wait3A_22 = arith.constant 0 : i32
    %dma_wait3A_23 = arith.constant 0 : i32
    %dma_wait3A_24 = tpu.memref_slice %arg2[%dma_wait3A_22, %dma_wait3A_23] : memref<10000x128xf32, #tpu.memory_space<hbm>> -> memref<10000x128xf32, #tpu.memory_space<hbm>>
    tpu.wait_indirect_dma semaphore(%arg7 : memref<!tpu.dma_semaphore, #tpu.memory_space<semaphore_mem>>) src(%dma_wait3A_24 : memref<10000x128xf32, #tpu.memory_space<hbm>>) dst(%arg6 : memref<120x128xf32, #tpu.memory_space<vmem>>)
    "tpu.region"() ({
      %run_scoped3A = tpu.sem_alloc : memref<!tpu.dma_semaphore, #tpu.memory_space<semaphore_mem>>
      %dma_start3A_65 = arith.constant 0 : i32
      %dma_start3A_66 = tpu.memref_slice %arg4[%add3A_18, %dma_start3A_65] : memref<30720x128xf32, #tpu.memory_space<hbm>> -> memref<120x128xf32, #tpu.memory_space<hbm>>
      %dma_start3A_67 = arith.constant 0 : i32
      %dma_start3A_68 = tpu.memref_slice %arg4[%add3A_18, %dma_start3A_67] : memref<30720x128xf32, #tpu.memory_space<hbm>> -> memref<120x128xf32, #tpu.memory_space<hbm>>
      tpu.enqueue_dma source(%arg6 : memref<120x128xf32, #tpu.memory_space<vmem>>) target(%dma_start3A_68 : memref<120x128xf32, #tpu.memory_space<hbm>>) target_semaphore(%run_scoped3A : memref<!tpu.dma_semaphore, #tpu.memory_space<semaphore_mem>>)
      %dma_wait3A_69 = arith.constant 0 : i32
      %dma_wait3A_70 = tpu.memref_slice %arg4[%add3A_18, %dma_wait3A_69] : memref<30720x128xf32, #tpu.memory_space<hbm>> -> memref<120x128xf32, #tpu.memory_space<hbm>>
      %dma_wait3A_71 = arith.constant 0 : i32
      %dma_wait3A_72 = tpu.memref_slice %arg4[%add3A_18, %dma_wait3A_71] : memref<30720x128xf32, #tpu.memory_space<hbm>> -> memref<120x128xf32, #tpu.memory_space<hbm>>
      tpu.wait_dma2 semaphore(%run_scoped3A : memref<!tpu.dma_semaphore, #tpu.memory_space<semaphore_mem>>) src(%arg6 : memref<120x128xf32, #tpu.memory_space<vmem>>) dst(%dma_wait3A_72 : memref<120x128xf32, #tpu.memory_space<hbm>>)
      tpu.yield
    }) : () -> ()
    %add3A_25 = arith.constant 360 : i32
    %add3A_26 = arith.addi %mul3A_2, %add3A_25 : i32
    "tpu.region"() ({
      %run_scoped3A = tpu.sem_alloc : memref<!tpu.dma_semaphore, #tpu.memory_space<semaphore_mem>>
      %dma_start3A_65 = tpu.memref_slice %arg3[%add3A_26] : memref<30720xi32, #tpu.memory_space<hbm>> -> memref<120xi32, #tpu.memory_space<hbm>>
      %dma_start3A_66 = tpu.memref_slice %arg3[%add3A_26] : memref<30720xi32, #tpu.memory_space<hbm>> -> memref<120xi32, #tpu.memory_space<hbm>>
      tpu.enqueue_dma source(%dma_start3A_66 : memref<120xi32, #tpu.memory_space<hbm>>) target(%arg5 : memref<120xi32, #tpu.memory_space<vmem>>) target_semaphore(%run_scoped3A : memref<!tpu.dma_semaphore, #tpu.memory_space<semaphore_mem>>)
      %dma_wait3A_67 = tpu.memref_slice %arg3[%add3A_26] : memref<30720xi32, #tpu.memory_space<hbm>> -> memref<120xi32, #tpu.memory_space<hbm>>
      %dma_wait3A_68 = tpu.memref_slice %arg3[%add3A_26] : memref<30720xi32, #tpu.memory_space<hbm>> -> memref<120xi32, #tpu.memory_space<hbm>>
      tpu.wait_dma2 semaphore(%run_scoped3A : memref<!tpu.dma_semaphore, #tpu.memory_space<semaphore_mem>>) src(%dma_wait3A_68 : memref<120xi32, #tpu.memory_space<hbm>>) dst(%arg5 : memref<120xi32, #tpu.memory_space<vmem>>)
      tpu.yield
    }) : () -> ()
    %dma_start3A_27 = arith.constant 0 : i32
    %dma_start3A_28 = arith.constant 0 : i32
    %dma_start3A_29 = tpu.memref_slice %arg2[%dma_start3A_27, %dma_start3A_28] : memref<10000x128xf32, #tpu.memory_space<hbm>> -> memref<10000x128xf32, #tpu.memory_space<hbm>>
    tpu.enqueue_indirect_dma source(%dma_start3A_29 : memref<10000x128xf32, #tpu.memory_space<hbm>>) target(%arg6 : memref<120x128xf32, #tpu.memory_space<vmem>>) offsets(%arg5 : memref<120xi32, #tpu.memory_space<vmem>>) semaphore(%arg7 : memref<!tpu.dma_semaphore, #tpu.memory_space<semaphore_mem>>)
    %dma_wait3A_30 = arith.constant 0 : i32
    %dma_wait3A_31 = arith.constant 0 : i32
    %dma_wait3A_32 = tpu.memref_slice %arg2[%dma_wait3A_30, %dma_wait3A_31] : memref<10000x128xf32, #tpu.memory_space<hbm>> -> memref<10000x128xf32, #tpu.memory_space<hbm>>
    tpu.wait_indirect_dma semaphore(%arg7 : memref<!tpu.dma_semaphore, #tpu.memory_space<semaphore_mem>>) src(%dma_wait3A_32 : memref<10000x128xf32, #tpu.memory_space<hbm>>) dst(%arg6 : memref<120x128xf32, #tpu.memory_space<vmem>>)
    "tpu.region"() ({
      %run_scoped3A = tpu.sem_alloc : memref<!tpu.dma_semaphore, #tpu.memory_space<semaphore_mem>>
      %dma_start3A_65 = arith.constant 0 : i32
      %dma_start3A_66 = tpu.memref_slice %arg4[%add3A_26, %dma_start3A_65] : memref<30720x128xf32, #tpu.memory_space<hbm>> -> memref<120x128xf32, #tpu.memory_space<hbm>>
      %dma_start3A_67 = arith.constant 0 : i32
      %dma_start3A_68 = tpu.memref_slice %arg4[%add3A_26, %dma_start3A_67] : memref<30720x128xf32, #tpu.memory_space<hbm>> -> memref<120x128xf32, #tpu.memory_space<hbm>>
      tpu.enqueue_dma source(%arg6 : memref<120x128xf32, #tpu.memory_space<vmem>>) target(%dma_start3A_68 : memref<120x128xf32, #tpu.memory_space<hbm>>) target_semaphore(%run_scoped3A : memref<!tpu.dma_semaphore, #tpu.memory_space<semaphore_mem>>)
      %dma_wait3A_69 = arith.constant 0 : i32
      %dma_wait3A_70 = tpu.memref_slice %arg4[%add3A_26, %dma_wait3A_69] : memref<30720x128xf32, #tpu.memory_space<hbm>> -> memref<120x128xf32, #tpu.memory_space<hbm>>
      %dma_wait3A_71 = arith.constant 0 : i32
      %dma_wait3A_72 = tpu.memref_slice %arg4[%add3A_26, %dma_wait3A_71] : memref<30720x128xf32, #tpu.memory_space<hbm>> -> memref<120x128xf32, #tpu.memory_space<hbm>>
      tpu.wait_dma2 semaphore(%run_scoped3A : memref<!tpu.dma_semaphore, #tpu.memory_space<semaphore_mem>>) src(%arg6 : memref<120x128xf32, #tpu.memory_space<vmem>>) dst(%dma_wait3A_72 : memref<120x128xf32, #tpu.memory_space<hbm>>)
      tpu.yield
    }) : () -> ()
    %add3A_33 = arith.constant 480 : i32
    %add3A_34 = arith.addi %mul3A_2, %add3A_33 : i32
    "tpu.region"() ({
      %run_scoped3A = tpu.sem_alloc : memref<!tpu.dma_semaphore, #tpu.memory_space<semaphore_mem>>
      %dma_start3A_65 = tpu.memref_slice %arg3[%add3A_34] : memref<30720xi32, #tpu.memory_space<hbm>> -> memref<120xi32, #tpu.memory_space<hbm>>
      %dma_start3A_66 = tpu.memref_slice %arg3[%add3A_34] : memref<30720xi32, #tpu.memory_space<hbm>> -> memref<120xi32, #tpu.memory_space<hbm>>
      tpu.enqueue_dma source(%dma_start3A_66 : memref<120xi32, #tpu.memory_space<hbm>>) target(%arg5 : memref<120xi32, #tpu.memory_space<vmem>>) target_semaphore(%run_scoped3A : memref<!tpu.dma_semaphore, #tpu.memory_space<semaphore_mem>>)
      %dma_wait3A_67 = tpu.memref_slice %arg3[%add3A_34] : memref<30720xi32, #tpu.memory_space<hbm>> -> memref<120xi32, #tpu.memory_space<hbm>>
      %dma_wait3A_68 = tpu.memref_slice %arg3[%add3A_34] : memref<30720xi32, #tpu.memory_space<hbm>> -> memref<120xi32, #tpu.memory_space<hbm>>
      tpu.wait_dma2 semaphore(%run_scoped3A : memref<!tpu.dma_semaphore, #tpu.memory_space<semaphore_mem>>) src(%dma_wait3A_68 : memref<120xi32, #tpu.memory_space<hbm>>) dst(%arg5 : memref<120xi32, #tpu.memory_space<vmem>>)
      tpu.yield
    }) : () -> ()
    %dma_start3A_35 = arith.constant 0 : i32
    %dma_start3A_36 = arith.constant 0 : i32
    %dma_start3A_37 = tpu.memref_slice %arg2[%dma_start3A_35, %dma_start3A_36] : memref<10000x128xf32, #tpu.memory_space<hbm>> -> memref<10000x128xf32, #tpu.memory_space<hbm>>
    tpu.enqueue_indirect_dma source(%dma_start3A_37 : memref<10000x128xf32, #tpu.memory_space<hbm>>) target(%arg6 : memref<120x128xf32, #tpu.memory_space<vmem>>) offsets(%arg5 : memref<120xi32, #tpu.memory_space<vmem>>) semaphore(%arg7 : memref<!tpu.dma_semaphore, #tpu.memory_space<semaphore_mem>>)
    %dma_wait3A_38 = arith.constant 0 : i32
    %dma_wait3A_39 = arith.constant 0 : i32
    %dma_wait3A_40 = tpu.memref_slice %arg2[%dma_wait3A_38, %dma_wait3A_39] : memref<10000x128xf32, #tpu.memory_space<hbm>> -> memref<10000x128xf32, #tpu.memory_space<hbm>>
    tpu.wait_indirect_dma semaphore(%arg7 : memref<!tpu.dma_semaphore, #tpu.memory_space<semaphore_mem>>) src(%dma_wait3A_40 : memref<10000x128xf32, #tpu.memory_space<hbm>>) dst(%arg6 : memref<120x128xf32, #tpu.memory_space<vmem>>)
    "tpu.region"() ({
      %run_scoped3A = tpu.sem_alloc : memref<!tpu.dma_semaphore, #tpu.memory_space<semaphore_mem>>
      %dma_start3A_65 = arith.constant 0 : i32
      %dma_start3A_66 = tpu.memref_slice %arg4[%add3A_34, %dma_start3A_65] : memref<30720x128xf32, #tpu.memory_space<hbm>> -> memref<120x128xf32, #tpu.memory_space<hbm>>
      %dma_start3A_67 = arith.constant 0 : i32
      %dma_start3A_68 = tpu.memref_slice %arg4[%add3A_34, %dma_start3A_67] : memref<30720x128xf32, #tpu.memory_space<hbm>> -> memref<120x128xf32, #tpu.memory_space<hbm>>
      tpu.enqueue_dma source(%arg6 : memref<120x128xf32, #tpu.memory_space<vmem>>) target(%dma_start3A_68 : memref<120x128xf32, #tpu.memory_space<hbm>>) target_semaphore(%run_scoped3A : memref<!tpu.dma_semaphore, #tpu.memory_space<semaphore_mem>>)
      %dma_wait3A_69 = arith.constant 0 : i32
      %dma_wait3A_70 = tpu.memref_slice %arg4[%add3A_34, %dma_wait3A_69] : memref<30720x128xf32, #tpu.memory_space<hbm>> -> memref<120x128xf32, #tpu.memory_space<hbm>>
      %dma_wait3A_71 = arith.constant 0 : i32
      %dma_wait3A_72 = tpu.memref_slice %arg4[%add3A_34, %dma_wait3A_71] : memref<30720x128xf32, #tpu.memory_space<hbm>> -> memref<120x128xf32, #tpu.memory_space<hbm>>
      tpu.wait_dma2 semaphore(%run_scoped3A : memref<!tpu.dma_semaphore, #tpu.memory_space<semaphore_mem>>) src(%arg6 : memref<120x128xf32, #tpu.memory_space<vmem>>) dst(%dma_wait3A_72 : memref<120x128xf32, #tpu.memory_space<hbm>>)
      tpu.yield
    }) : () -> ()
    %add3A_41 = arith.constant 600 : i32
    %add3A_42 = arith.addi %mul3A_2, %add3A_41 : i32
    "tpu.region"() ({
      %run_scoped3A = tpu.sem_alloc : memref<!tpu.dma_semaphore, #tpu.memory_space<semaphore_mem>>
      %dma_start3A_65 = tpu.memref_slice %arg3[%add3A_42] : memref<30720xi32, #tpu.memory_space<hbm>> -> memref<120xi32, #tpu.memory_space<hbm>>
      %dma_start3A_66 = tpu.memref_slice %arg3[%add3A_42] : memref<30720xi32, #tpu.memory_space<hbm>> -> memref<120xi32, #tpu.memory_space<hbm>>
      tpu.enqueue_dma source(%dma_start3A_66 : memref<120xi32, #tpu.memory_space<hbm>>) target(%arg5 : memref<120xi32, #tpu.memory_space<vmem>>) target_semaphore(%run_scoped3A : memref<!tpu.dma_semaphore, #tpu.memory_space<semaphore_mem>>)
      %dma_wait3A_67 = tpu.memref_slice %arg3[%add3A_42] : memref<30720xi32, #tpu.memory_space<hbm>> -> memref<120xi32, #tpu.memory_space<hbm>>
      %dma_wait3A_68 = tpu.memref_slice %arg3[%add3A_42] : memref<30720xi32, #tpu.memory_space<hbm>> -> memref<120xi32, #tpu.memory_space<hbm>>
      tpu.wait_dma2 semaphore(%run_scoped3A : memref<!tpu.dma_semaphore, #tpu.memory_space<semaphore_mem>>) src(%dma_wait3A_68 : memref<120xi32, #tpu.memory_space<hbm>>) dst(%arg5 : memref<120xi32, #tpu.memory_space<vmem>>)
      tpu.yield
    }) : () -> ()
    %dma_start3A_43 = arith.constant 0 : i32
    %dma_start3A_44 = arith.constant 0 : i32
    %dma_start3A_45 = tpu.memref_slice %arg2[%dma_start3A_43, %dma_start3A_44] : memref<10000x128xf32, #tpu.memory_space<hbm>> -> memref<10000x128xf32, #tpu.memory_space<hbm>>
    tpu.enqueue_indirect_dma source(%dma_start3A_45 : memref<10000x128xf32, #tpu.memory_space<hbm>>) target(%arg6 : memref<120x128xf32, #tpu.memory_space<vmem>>) offsets(%arg5 : memref<120xi32, #tpu.memory_space<vmem>>) semaphore(%arg7 : memref<!tpu.dma_semaphore, #tpu.memory_space<semaphore_mem>>)
    %dma_wait3A_46 = arith.constant 0 : i32
    %dma_wait3A_47 = arith.constant 0 : i32
    %dma_wait3A_48 = tpu.memref_slice %arg2[%dma_wait3A_46, %dma_wait3A_47] : memref<10000x128xf32, #tpu.memory_space<hbm>> -> memref<10000x128xf32, #tpu.memory_space<hbm>>
    tpu.wait_indirect_dma semaphore(%arg7 : memref<!tpu.dma_semaphore, #tpu.memory_space<semaphore_mem>>) src(%dma_wait3A_48 : memref<10000x128xf32, #tpu.memory_space<hbm>>) dst(%arg6 : memref<120x128xf32, #tpu.memory_space<vmem>>)
    "tpu.region"() ({
      %run_scoped3A = tpu.sem_alloc : memref<!tpu.dma_semaphore, #tpu.memory_space<semaphore_mem>>
      %dma_start3A_65 = arith.constant 0 : i32
      %dma_start3A_66 = tpu.memref_slice %arg4[%add3A_42, %dma_start3A_65] : memref<30720x128xf32, #tpu.memory_space<hbm>> -> memref<120x128xf32, #tpu.memory_space<hbm>>
      %dma_start3A_67 = arith.constant 0 : i32
      %dma_start3A_68 = tpu.memref_slice %arg4[%add3A_42, %dma_start3A_67] : memref<30720x128xf32, #tpu.memory_space<hbm>> -> memref<120x128xf32, #tpu.memory_space<hbm>>
      tpu.enqueue_dma source(%arg6 : memref<120x128xf32, #tpu.memory_space<vmem>>) target(%dma_start3A_68 : memref<120x128xf32, #tpu.memory_space<hbm>>) target_semaphore(%run_scoped3A : memref<!tpu.dma_semaphore, #tpu.memory_space<semaphore_mem>>)
      %dma_wait3A_69 = arith.constant 0 : i32
      %dma_wait3A_70 = tpu.memref_slice %arg4[%add3A_42, %dma_wait3A_69] : memref<30720x128xf32, #tpu.memory_space<hbm>> -> memref<120x128xf32, #tpu.memory_space<hbm>>
      %dma_wait3A_71 = arith.constant 0 : i32
      %dma_wait3A_72 = tpu.memref_slice %arg4[%add3A_42, %dma_wait3A_71] : memref<30720x128xf32, #tpu.memory_space<hbm>> -> memref<120x128xf32, #tpu.memory_space<hbm>>
      tpu.wait_dma2 semaphore(%run_scoped3A : memref<!tpu.dma_semaphore, #tpu.memory_space<semaphore_mem>>) src(%arg6 : memref<120x128xf32, #tpu.memory_space<vmem>>) dst(%dma_wait3A_72 : memref<120x128xf32, #tpu.memory_space<hbm>>)
      tpu.yield
    }) : () -> ()
    %add3A_49 = arith.constant 720 : i32
    %add3A_50 = arith.addi %mul3A_2, %add3A_49 : i32
    "tpu.region"() ({
      %run_scoped3A = tpu.sem_alloc : memref<!tpu.dma_semaphore, #tpu.memory_space<semaphore_mem>>
      %dma_start3A_65 = tpu.memref_slice %arg3[%add3A_50] : memref<30720xi32, #tpu.memory_space<hbm>> -> memref<120xi32, #tpu.memory_space<hbm>>
      %dma_start3A_66 = tpu.memref_slice %arg3[%add3A_50] : memref<30720xi32, #tpu.memory_space<hbm>> -> memref<120xi32, #tpu.memory_space<hbm>>
      tpu.enqueue_dma source(%dma_start3A_66 : memref<120xi32, #tpu.memory_space<hbm>>) target(%arg5 : memref<120xi32, #tpu.memory_space<vmem>>) target_semaphore(%run_scoped3A : memref<!tpu.dma_semaphore, #tpu.memory_space<semaphore_mem>>)
      %dma_wait3A_67 = tpu.memref_slice %arg3[%add3A_50] : memref<30720xi32, #tpu.memory_space<hbm>> -> memref<120xi32, #tpu.memory_space<hbm>>
      %dma_wait3A_68 = tpu.memref_slice %arg3[%add3A_50] : memref<30720xi32, #tpu.memory_space<hbm>> -> memref<120xi32, #tpu.memory_space<hbm>>
      tpu.wait_dma2 semaphore(%run_scoped3A : memref<!tpu.dma_semaphore, #tpu.memory_space<semaphore_mem>>) src(%dma_wait3A_68 : memref<120xi32, #tpu.memory_space<hbm>>) dst(%arg5 : memref<120xi32, #tpu.memory_space<vmem>>)
      tpu.yield
    }) : () -> ()
    %dma_start3A_51 = arith.constant 0 : i32
    %dma_start3A_52 = arith.constant 0 : i32
    %dma_start3A_53 = tpu.memref_slice %arg2[%dma_start3A_51, %dma_start3A_52] : memref<10000x128xf32, #tpu.memory_space<hbm>> -> memref<10000x128xf32, #tpu.memory_space<hbm>>
    tpu.enqueue_indirect_dma source(%dma_start3A_53 : memref<10000x128xf32, #tpu.memory_space<hbm>>) target(%arg6 : memref<120x128xf32, #tpu.memory_space<vmem>>) offsets(%arg5 : memref<120xi32, #tpu.memory_space<vmem>>) semaphore(%arg7 : memref<!tpu.dma_semaphore, #tpu.memory_space<semaphore_mem>>)
    %dma_wait3A_54 = arith.constant 0 : i32
    %dma_wait3A_55 = arith.constant 0 : i32
    %dma_wait3A_56 = tpu.memref_slice %arg2[%dma_wait3A_54, %dma_wait3A_55] : memref<10000x128xf32, #tpu.memory_space<hbm>> -> memref<10000x128xf32, #tpu.memory_space<hbm>>
    tpu.wait_indirect_dma semaphore(%arg7 : memref<!tpu.dma_semaphore, #tpu.memory_space<semaphore_mem>>) src(%dma_wait3A_56 : memref<10000x128xf32, #tpu.memory_space<hbm>>) dst(%arg6 : memref<120x128xf32, #tpu.memory_space<vmem>>)
    "tpu.region"() ({
      %run_scoped3A = tpu.sem_alloc : memref<!tpu.dma_semaphore, #tpu.memory_space<semaphore_mem>>
      %dma_start3A_65 = arith.constant 0 : i32
      %dma_start3A_66 = tpu.memref_slice %arg4[%add3A_50, %dma_start3A_65] : memref<30720x128xf32, #tpu.memory_space<hbm>> -> memref<120x128xf32, #tpu.memory_space<hbm>>
      %dma_start3A_67 = arith.constant 0 : i32
      %dma_start3A_68 = tpu.memref_slice %arg4[%add3A_50, %dma_start3A_67] : memref<30720x128xf32, #tpu.memory_space<hbm>> -> memref<120x128xf32, #tpu.memory_space<hbm>>
      tpu.enqueue_dma source(%arg6 : memref<120x128xf32, #tpu.memory_space<vmem>>) target(%dma_start3A_68 : memref<120x128xf32, #tpu.memory_space<hbm>>) target_semaphore(%run_scoped3A : memref<!tpu.dma_semaphore, #tpu.memory_space<semaphore_mem>>)
      %dma_wait3A_69 = arith.constant 0 : i32
      %dma_wait3A_70 = tpu.memref_slice %arg4[%add3A_50, %dma_wait3A_69] : memref<30720x128xf32, #tpu.memory_space<hbm>> -> memref<120x128xf32, #tpu.memory_space<hbm>>
      %dma_wait3A_71 = arith.constant 0 : i32
      %dma_wait3A_72 = tpu.memref_slice %arg4[%add3A_50, %dma_wait3A_71] : memref<30720x128xf32, #tpu.memory_space<hbm>> -> memref<120x128xf32, #tpu.memory_space<hbm>>
      tpu.wait_dma2 semaphore(%run_scoped3A : memref<!tpu.dma_semaphore, #tpu.memory_space<semaphore_mem>>) src(%arg6 : memref<120x128xf32, #tpu.memory_space<vmem>>) dst(%dma_wait3A_72 : memref<120x128xf32, #tpu.memory_space<hbm>>)
      tpu.yield
    }) : () -> ()
    %add3A_57 = arith.constant 840 : i32
    %add3A_58 = arith.addi %mul3A_2, %add3A_57 : i32
    "tpu.region"() ({
      %run_scoped3A = tpu.sem_alloc : memref<!tpu.dma_semaphore, #tpu.memory_space<semaphore_mem>>
      %dma_start3A_65 = tpu.memref_slice %arg3[%add3A_58] : memref<30720xi32, #tpu.memory_space<hbm>> -> memref<120xi32, #tpu.memory_space<hbm>>
      %dma_start3A_66 = tpu.memref_slice %arg3[%add3A_58] : memref<30720xi32, #tpu.memory_space<hbm>> -> memref<120xi32, #tpu.memory_space<hbm>>
      tpu.enqueue_dma source(%dma_start3A_66 : memref<120xi32, #tpu.memory_space<hbm>>) target(%arg5 : memref<120xi32, #tpu.memory_space<vmem>>) target_semaphore(%run_scoped3A : memref<!tpu.dma_semaphore, #tpu.memory_space<semaphore_mem>>)
      %dma_wait3A_67 = tpu.memref_slice %arg3[%add3A_58] : memref<30720xi32, #tpu.memory_space<hbm>> -> memref<120xi32, #tpu.memory_space<hbm>>
      %dma_wait3A_68 = tpu.memref_slice %arg3[%add3A_58] : memref<30720xi32, #tpu.memory_space<hbm>> -> memref<120xi32, #tpu.memory_space<hbm>>
      tpu.wait_dma2 semaphore(%run_scoped3A : memref<!tpu.dma_semaphore, #tpu.memory_space<semaphore_mem>>) src(%dma_wait3A_68 : memref<120xi32, #tpu.memory_space<hbm>>) dst(%arg5 : memref<120xi32, #tpu.memory_space<vmem>>)
      tpu.yield
    }) : () -> ()
    %dma_start3A_59 = arith.constant 0 : i32
    %dma_start3A_60 = arith.constant 0 : i32
    %dma_start3A_61 = tpu.memref_slice %arg2[%dma_start3A_59, %dma_start3A_60] : memref<10000x128xf32, #tpu.memory_space<hbm>> -> memref<10000x128xf32, #tpu.memory_space<hbm>>
    tpu.enqueue_indirect_dma source(%dma_start3A_61 : memref<10000x128xf32, #tpu.memory_space<hbm>>) target(%arg6 : memref<120x128xf32, #tpu.memory_space<vmem>>) offsets(%arg5 : memref<120xi32, #tpu.memory_space<vmem>>) semaphore(%arg7 : memref<!tpu.dma_semaphore, #tpu.memory_space<semaphore_mem>>)
    %dma_wait3A_62 = arith.constant 0 : i32
    %dma_wait3A_63 = arith.constant 0 : i32
    %dma_wait3A_64 = tpu.memref_slice %arg2[%dma_wait3A_62, %dma_wait3A_63] : memref<10000x128xf32, #tpu.memory_space<hbm>> -> memref<10000x128xf32, #tpu.memory_space<hbm>>
    tpu.wait_indirect_dma semaphore(%arg7 : memref<!tpu.dma_semaphore, #tpu.memory_space<semaphore_mem>>) src(%dma_wait3A_64 : memref<10000x128xf32, #tpu.memory_space<hbm>>) dst(%arg6 : memref<120x128xf32, #tpu.memory_space<vmem>>)
    "tpu.region"() ({
      %run_scoped3A = tpu.sem_alloc : memref<!tpu.dma_semaphore, #tpu.memory_space<semaphore_mem>>
      %dma_start3A_65 = arith.constant 0 : i32
      %dma_start3A_66 = tpu.memref_slice %arg4[%add3A_58, %dma_start3A_65] : memref<30720x128xf32, #tpu.memory_space<hbm>> -> memref<120x128xf32, #tpu.memory_space<hbm>>
      %dma_start3A_67 = arith.constant 0 : i32
      %dma_start3A_68 = tpu.memref_slice %arg4[%add3A_58, %dma_start3A_67] : memref<30720x128xf32, #tpu.memory_space<hbm>> -> memref<120x128xf32, #tpu.memory_space<hbm>>
      tpu.enqueue_dma source(%arg6 : memref<120x128xf32, #tpu.memory_space<vmem>>) target(%dma_start3A_68 : memref<120x128xf32, #tpu.memory_space<hbm>>) target_semaphore(%run_scoped3A : memref<!tpu.dma_semaphore, #tpu.memory_space<semaphore_mem>>)
      %dma_wait3A_69 = arith.constant 0 : i32
      %dma_wait3A_70 = tpu.memref_slice %arg4[%add3A_58, %dma_wait3A_69] : memref<30720x128xf32, #tpu.memory_space<hbm>> -> memref<120x128xf32, #tpu.memory_space<hbm>>
      %dma_wait3A_71 = arith.constant 0 : i32
      %dma_wait3A_72 = tpu.memref_slice %arg4[%add3A_58, %dma_wait3A_71] : memref<30720x128xf32, #tpu.memory_space<hbm>> -> memref<120x128xf32, #tpu.memory_space<hbm>>
      tpu.wait_dma2 semaphore(%run_scoped3A : memref<!tpu.dma_semaphore, #tpu.memory_space<semaphore_mem>>) src(%arg6 : memref<120x128xf32, #tpu.memory_space<vmem>>) dst(%dma_wait3A_72 : memref<120x128xf32, #tpu.memory_space<hbm>>)
      tpu.yield
    }) : () -> ()
    return
  }
}

module attributes {stable_mosaic.version = 14 : i64} {
  func.func @_warp_body(%arg0: i32, %arg1: memref<2000x3xf32, #tpu.memory_space<vmem>>, %arg2: memref<2000x3xf32, #tpu.memory_space<vmem>>, %arg3: memref<2000x3xf32, #tpu.memory_space<vmem>>) attributes {dimension_semantics = [#tpu.dimension_semantics<arbitrary>], iteration_bounds = array<i64: 5>, scalar_prefetch = 0 : i64, scratch_operands = 0 : i64, tpu.core_type = #tpu.core_type<tc>, window_params = [{transform_indices = @transform_0, window_bounds = array<i64: 2000, 3>}, {transform_indices = @transform_1, window_bounds = array<i64: 2000, 3>}, {transform_indices = @transform_2, window_bounds = array<i64: 2000, 3>}]} {
    %get3A = arith.constant 0 : index
    %get3A_0 = arith.constant 0 : index
    %get3A_1 = vector.load %arg1[%get3A, %get3A_0] : memref<2000x3xf32, #tpu.memory_space<vmem>>, vector<2000x3xf32>
    %get3A_2 = arith.constant 0 : index
    %get3A_3 = arith.constant 0 : index
    %get3A_4 = vector.load %arg2[%get3A_2, %get3A_3] : memref<2000x3xf32, #tpu.memory_space<vmem>>, vector<2000x3xf32>
    %add3A = arith.addf %get3A_1, %get3A_4 : vector<2000x3xf32>
    %swap3A = arith.constant 0 : index
    %swap3A_5 = arith.constant 0 : index
    %swap3A_6 = vector.load %arg3[%swap3A, %swap3A_5] : memref<2000x3xf32, #tpu.memory_space<vmem>>, vector<2000x3xf32>
    tpu.vector_store %arg3[%swap3A, %swap3A_5], %add3A {strides = array<i32>} : memref<2000x3xf32, #tpu.memory_space<vmem>>, vector<2000x3xf32>,
    return
  }
  func.func @transform_0(%arg0: i32) -> (i32, i32) {
    %c0_i32 = arith.constant 0 : i32
    %c0_i32_0 = arith.constant 0 : i32
    return %arg0, %c0_i32 : i32, i32
  }
  func.func @transform_1(%arg0: i32) -> (i32, i32) {
    %c0_i32 = arith.constant 0 : i32
    %c0_i32_0 = arith.constant 0 : i32
    return %arg0, %c0_i32 : i32, i32
  }
  func.func @transform_2(%arg0: i32) -> (i32, i32) {
    %c0_i32 = arith.constant 0 : i32
    %c0_i32_0 = arith.constant 0 : i32
    return %arg0, %c0_i32 : i32, i32
  }
}

module attributes {stable_mosaic.version = 14 : i64} {
  func.func @_knn_body(%arg0: i32, %arg1: memref<256x3xf32, #tpu.memory_space<vmem>>, %arg2: memref<3x10240xf32, #tpu.memory_space<vmem>>, %arg3: memref<256x3xi32, #tpu.memory_space<vmem>>) attributes {dimension_semantics = [#tpu.dimension_semantics<arbitrary>], iteration_bounds = array<i64: 40>, scalar_prefetch = 0 : i64, scratch_operands = 0 : i64, tpu.core_type = #tpu.core_type<tc>, window_params = [{transform_indices = @transform_0, window_bounds = array<i64: 256, 3>}, {pipeline_mode = #tpu.pipeline_mode<synchronous>, transform_indices = @transform_1, window_bounds = array<i64: 3, 10240>}, {transform_indices = @transform_2, window_bounds = array<i64: 256, 3>}]} {
    %get3A = arith.constant 0 : index
    %get3A_0 = arith.constant 0 : index
    %get3A_1 = vector.load %arg1[%get3A, %get3A_0] : memref<256x3xf32, #tpu.memory_space<vmem>>, vector<256x3xf32>
    %get3A_2 = arith.constant 0 : index
    %get3A_3 = arith.constant 0 : index
    %get3A_4 = vector.load %arg2[%get3A_2, %get3A_3] : memref<3x10240xf32, #tpu.memory_space<vmem>>, vector<3x10240xf32>
    %slice3A = vector.extract_strided_slice %get3A_4 {offsets = [0, 0], sizes = [1, 10240], strides = [1, 1]} : vector<3x10240xf32> to vector<1x10240xf32>
    %slice3A_5 = vector.extract_strided_slice %get3A_4 {offsets = [1, 0], sizes = [1, 10240], strides = [1, 1]} : vector<3x10240xf32> to vector<1x10240xf32>
    %slice3A_6 = vector.extract_strided_slice %get3A_4 {offsets = [2, 0], sizes = [1, 10240], strides = [1, 1]} : vector<3x10240xf32> to vector<1x10240xf32>
    %mul3A = arith.mulf %slice3A, %slice3A : vector<1x10240xf32>
    %mul3A_7 = arith.mulf %slice3A_5, %slice3A_5 : vector<1x10240xf32>
    %add3A = arith.addf %mul3A, %mul3A_7 : vector<1x10240xf32>
    %mul3A_8 = arith.mulf %slice3A_6, %slice3A_6 : vector<1x10240xf32>
    %add3A_9 = arith.addf %add3A, %mul3A_8 : vector<1x10240xf32>
    %slice3A_10 = vector.extract_strided_slice %get3A_1 {offsets = [0, 0], sizes = [256, 1], strides = [1, 1]} : vector<256x3xf32> to vector<256x1xf32>
    %slice3A_11 = vector.extract_strided_slice %get3A_1 {offsets = [0, 1], sizes = [256, 1], strides = [1, 1]} : vector<256x3xf32> to vector<256x1xf32>
    %slice3A_12 = vector.extract_strided_slice %get3A_1 {offsets = [0, 2], sizes = [256, 1], strides = [1, 1]} : vector<256x3xf32> to vector<256x1xf32>
    %mul3A_13 = arith.mulf %slice3A_10, %slice3A_10 : vector<256x1xf32>
    %mul3A_14 = arith.mulf %slice3A_11, %slice3A_11 : vector<256x1xf32>
    %add3A_15 = arith.addf %mul3A_13, %mul3A_14 : vector<256x1xf32>
    %mul3A_16 = arith.mulf %slice3A_12, %slice3A_12 : vector<256x1xf32>
    %add3A_17 = arith.addf %add3A_15, %mul3A_16 : vector<256x1xf32>
    %dot_general3A = arith.constant dense<0.000000e+00> : vector<256x10240xf32>
    %dot_general3A_18 = tpu.matmul %get3A_1, %get3A_4, %dot_general3A {dimension_numbers = #tpu.dot_dimension_numbers<[1], [0], [0], [1], [0, 0, 1, 1], [], []>, transpose_lhs_hint = false} : vector<256x3xf32>, vector<3x10240xf32>, vector<256x10240xf32> -> vector<256x10240xf32>
    %add3A_19 = vector.broadcast %add3A_17 : vector<256x1xf32> to vector<256x10240xf32>
    %add3A_20 = vector.broadcast %add3A_9 : vector<1x10240xf32> to vector<256x10240xf32>
    %add3A_21 = arith.addf %add3A_19, %add3A_20 : vector<256x10240xf32>
    %mul3A_22 = arith.constant 2.000000e+00 : f32
    %mul3A_23 = vector.broadcast %mul3A_22 : f32 to vector<256x10240xf32>
    %mul3A_24 = arith.mulf %mul3A_23, %dot_general3A_18 : vector<256x10240xf32>
    %sub3A = arith.subf %add3A_21, %mul3A_24 : vector<256x10240xf32>
    %iota3A = tpu.iota {dimensions = array<i32: 1>} : vector<256x10240xi32>
    %argmin3A = tpu.reduce_index %sub3A {axis = 1 : i32, kind = #tpu.reduction_kind<arg_min>} : vector<256x10240xf32> -> vector<256xi32>
    %broadcast_in_dim3A = vector.shape_cast %argmin3A : vector<256xi32> to vector<256x1xi32>
    %eq3A = vector.broadcast %broadcast_in_dim3A : vector<256x1xi32> to vector<256x10240xi32>
    %eq3A_25 = arith.cmpi eq, %iota3A, %eq3A : vector<256x10240xi32>
    %jit3A = arith.constant 3.000000e+38 : f32
    %broadcast_in_dim3A_26 = vector.broadcast %jit3A : f32 to vector<256x10240xf32>
    %select_n3A = arith.select %eq3A_25, %broadcast_in_dim3A_26, %sub3A : vector<256x10240xi1>, vector<256x10240xf32>
    %argmin3A_27 = tpu.reduce_index %select_n3A {axis = 1 : i32, kind = #tpu.reduction_kind<arg_min>} : vector<256x10240xf32> -> vector<256xi32>
    %broadcast_in_dim3A_28 = vector.shape_cast %argmin3A_27 : vector<256xi32> to vector<256x1xi32>
    %eq3A_29 = vector.broadcast %broadcast_in_dim3A_28 : vector<256x1xi32> to vector<256x10240xi32>
    %eq3A_30 = arith.cmpi eq, %iota3A, %eq3A_29 : vector<256x10240xi32>
    %jit3A_31 = arith.constant 3.000000e+38 : f32
    %broadcast_in_dim3A_32 = vector.broadcast %jit3A_31 : f32 to vector<256x10240xf32>
    %select_n3A_33 = arith.select %eq3A_30, %broadcast_in_dim3A_32, %select_n3A : vector<256x10240xi1>, vector<256x10240xf32>
    %argmin3A_34 = tpu.reduce_index %select_n3A_33 {axis = 1 : i32, kind = #tpu.reduction_kind<arg_min>} : vector<256x10240xf32> -> vector<256xi32>
    %broadcast_in_dim3A_35 = vector.shape_cast %argmin3A_34 : vector<256xi32> to vector<256x1xi32>
    %concatenate3A = tpu.concatenate %broadcast_in_dim3A, %broadcast_in_dim3A_28, %broadcast_in_dim3A_35 in 1 : vector<256x1xi32>, vector<256x1xi32>, vector<256x1xi32> -> vector<256x3xi32>
    %swap3A = arith.constant 0 : index
    %swap3A_36 = arith.constant 0 : index
    %swap3A_37 = vector.load %arg3[%swap3A, %swap3A_36] : memref<256x3xi32, #tpu.memory_space<vmem>>, vector<256x3xi32>
    tpu.vector_store %arg3[%swap3A, %swap3A_36], %concatenate3A {strides = array<i32>} : memref<256x3xi32, #tpu.memory_space<vmem>>, vector<256x3xi32>,
    return
  }
  func.func @transform_0(%arg0: i32) -> (i32, i32) {
    %c0_i32 = arith.constant 0 : i32
    %c0_i32_0 = arith.constant 0 : i32
    return %arg0, %c0_i32 : i32, i32
  }
  func.func @transform_1(%arg0: i32) -> (i32, i32) {
    %c0_i32 = arith.constant 0 : i32
    %c0_i32_0 = arith.constant 0 : i32
    %c0_i32_1 = arith.constant 0 : i32
    return %c0_i32, %c0_i32_0 : i32, i32
  }
  func.func @transform_2(%arg0: i32) -> (i32, i32) {
    %c0_i32 = arith.constant 0 : i32
    %c0_i32_0 = arith.constant 0 : i32
    return %arg0, %c0_i32 : i32, i32
  }
}

module attributes {stable_mosaic.version = 14 : i64} {
  func.func @_combine_body(%arg0: i32, %arg1: memref<512x384xf32, #tpu.memory_space<vmem>>, %arg2: memref<512x3xf32, #tpu.memory_space<vmem>>, %arg3: memref<512x64xf32, #tpu.memory_space<vmem>>) attributes {dimension_semantics = [#tpu.dimension_semantics<arbitrary>], iteration_bounds = array<i64: 20>, scalar_prefetch = 0 : i64, scratch_operands = 0 : i64, tpu.core_type = #tpu.core_type<tc>, window_params = [{transform_indices = @transform_0, window_bounds = array<i64: 512, 384>}, {transform_indices = @transform_1, window_bounds = array<i64: 512, 3>}, {transform_indices = @transform_2, window_bounds = array<i64: 512, 64>}]} {
    %get3A = arith.constant 0 : index
    %get3A_0 = arith.constant 0 : index
    %get3A_1 = vector.load %arg1[%get3A, %get3A_0] : memref<512x384xf32, #tpu.memory_space<vmem>>, vector<512x384xf32>
    %get3A_2 = arith.constant 0 : index
    %get3A_3 = arith.constant 0 : index
    %get3A_4 = vector.load %arg2[%get3A_2, %get3A_3] : memref<512x3xf32, #tpu.memory_space<vmem>>, vector<512x3xf32>
    %slice3A = vector.extract_strided_slice %get3A_4 {offsets = [0, 0], sizes = [512, 1], strides = [1, 1]} : vector<512x3xf32> to vector<512x1xf32>
    %slice3A_5 = vector.extract_strided_slice %get3A_4 {offsets = [0, 1], sizes = [512, 1], strides = [1, 1]} : vector<512x3xf32> to vector<512x1xf32>
    %slice3A_6 = vector.extract_strided_slice %get3A_4 {offsets = [0, 2], sizes = [512, 1], strides = [1, 1]} : vector<512x3xf32> to vector<512x1xf32>
    %slice3A_7 = vector.extract_strided_slice %get3A_1 {offsets = [0, 64], sizes = [512, 1], strides = [1, 1]} : vector<512x384xf32> to vector<512x1xf32>
    %sub3A = arith.subf %slice3A_7, %slice3A : vector<512x1xf32>
    %slice3A_8 = vector.extract_strided_slice %get3A_1 {offsets = [0, 65], sizes = [512, 1], strides = [1, 1]} : vector<512x384xf32> to vector<512x1xf32>
    %sub3A_9 = arith.subf %slice3A_8, %slice3A_5 : vector<512x1xf32>
    %slice3A_10 = vector.extract_strided_slice %get3A_1 {offsets = [0, 66], sizes = [512, 1], strides = [1, 1]} : vector<512x384xf32> to vector<512x1xf32>
    %sub3A_11 = arith.subf %slice3A_10, %slice3A_6 : vector<512x1xf32>
    %mul3A = arith.mulf %sub3A, %sub3A : vector<512x1xf32>
    %mul3A_12 = arith.mulf %sub3A_9, %sub3A_9 : vector<512x1xf32>
    %add3A = arith.addf %mul3A, %mul3A_12 : vector<512x1xf32>
    %mul3A_13 = arith.mulf %sub3A_11, %sub3A_11 : vector<512x1xf32>
    %add3A_14 = arith.addf %add3A, %mul3A_13 : vector<512x1xf32>
    %sqrt3A = math.sqrt %add3A_14 : vector<512x1xf32>
    %max3A = arith.constant 1.000000e-10 : f32
    %max3A_15 = vector.broadcast %max3A : f32 to vector<512x1xf32>
    %max3A_16 = arith.maximumf %sqrt3A, %max3A_15 : vector<512x1xf32>
    %div3A = arith.constant 1.000000e+00 : f32
    %div3A_17 = vector.broadcast %div3A : f32 to vector<512x1xf32>
    %div3A_18 = arith.divf %div3A_17, %max3A_16 : vector<512x1xf32>
    %slice3A_19 = vector.extract_strided_slice %get3A_1 {offsets = [0, 192], sizes = [512, 1], strides = [1, 1]} : vector<512x384xf32> to vector<512x1xf32>
    %sub3A_20 = arith.subf %slice3A_19, %slice3A : vector<512x1xf32>
    %slice3A_21 = vector.extract_strided_slice %get3A_1 {offsets = [0, 193], sizes = [512, 1], strides = [1, 1]} : vector<512x384xf32> to vector<512x1xf32>
    %sub3A_22 = arith.subf %slice3A_21, %slice3A_5 : vector<512x1xf32>
    %slice3A_23 = vector.extract_strided_slice %get3A_1 {offsets = [0, 194], sizes = [512, 1], strides = [1, 1]} : vector<512x384xf32> to vector<512x1xf32>
    %sub3A_24 = arith.subf %slice3A_23, %slice3A_6 : vector<512x1xf32>
    %mul3A_25 = arith.mulf %sub3A_20, %sub3A_20 : vector<512x1xf32>
    %mul3A_26 = arith.mulf %sub3A_22, %sub3A_22 : vector<512x1xf32>
    %add3A_27 = arith.addf %mul3A_25, %mul3A_26 : vector<512x1xf32>
    %mul3A_28 = arith.mulf %sub3A_24, %sub3A_24 : vector<512x1xf32>
    %add3A_29 = arith.addf %add3A_27, %mul3A_28 : vector<512x1xf32>
    %sqrt3A_30 = math.sqrt %add3A_29 : vector<512x1xf32>
    %max3A_31 = arith.constant 1.000000e-10 : f32
    %max3A_32 = vector.broadcast %max3A_31 : f32 to vector<512x1xf32>
    %max3A_33 = arith.maximumf %sqrt3A_30, %max3A_32 : vector<512x1xf32>
    %div3A_34 = arith.constant 1.000000e+00 : f32
    %div3A_35 = vector.broadcast %div3A_34 : f32 to vector<512x1xf32>
    %div3A_36 = arith.divf %div3A_35, %max3A_33 : vector<512x1xf32>
    %slice3A_37 = vector.extract_strided_slice %get3A_1 {offsets = [0, 320], sizes = [512, 1], strides = [1, 1]} : vector<512x384xf32> to vector<512x1xf32>
    %sub3A_38 = arith.subf %slice3A_37, %slice3A : vector<512x1xf32>
    %slice3A_39 = vector.extract_strided_slice %get3A_1 {offsets = [0, 321], sizes = [512, 1], strides = [1, 1]} : vector<512x384xf32> to vector<512x1xf32>
    %sub3A_40 = arith.subf %slice3A_39, %slice3A_5 : vector<512x1xf32>
    %slice3A_41 = vector.extract_strided_slice %get3A_1 {offsets = [0, 322], sizes = [512, 1], strides = [1, 1]} : vector<512x384xf32> to vector<512x1xf32>
    %sub3A_42 = arith.subf %slice3A_41, %slice3A_6 : vector<512x1xf32>
    %mul3A_43 = arith.mulf %sub3A_38, %sub3A_38 : vector<512x1xf32>
    %mul3A_44 = arith.mulf %sub3A_40, %sub3A_40 : vector<512x1xf32>
    %add3A_45 = arith.addf %mul3A_43, %mul3A_44 : vector<512x1xf32>
    %mul3A_46 = arith.mulf %sub3A_42, %sub3A_42 : vector<512x1xf32>
    %add3A_47 = arith.addf %add3A_45, %mul3A_46 : vector<512x1xf32>
    %sqrt3A_48 = math.sqrt %add3A_47 : vector<512x1xf32>
    %max3A_49 = arith.constant 1.000000e-10 : f32
    %max3A_50 = vector.broadcast %max3A_49 : f32 to vector<512x1xf32>
    %max3A_51 = arith.maximumf %sqrt3A_48, %max3A_50 : vector<512x1xf32>
    %div3A_52 = arith.constant 1.000000e+00 : f32
    %div3A_53 = vector.broadcast %div3A_52 : f32 to vector<512x1xf32>
    %div3A_54 = arith.divf %div3A_53, %max3A_51 : vector<512x1xf32>
    %add3A_55 = arith.addf %div3A_18, %div3A_36 : vector<512x1xf32>
    %add3A_56 = arith.addf %add3A_55, %div3A_54 : vector<512x1xf32>
    %slice3A_57 = vector.extract_strided_slice %get3A_1 {offsets = [0, 0], sizes = [512, 64], strides = [1, 1]} : vector<512x384xf32> to vector<512x64xf32>
    %div3A_58 = arith.divf %div3A_18, %add3A_56 : vector<512x1xf32>
    %mul3A_59 = vector.broadcast %div3A_58 : vector<512x1xf32> to vector<512x64xf32>
    %mul3A_60 = arith.mulf %slice3A_57, %mul3A_59 : vector<512x64xf32>
    %slice3A_61 = vector.extract_strided_slice %get3A_1 {offsets = [0, 128], sizes = [512, 64], strides = [1, 1]} : vector<512x384xf32> to vector<512x64xf32>
    %div3A_62 = arith.divf %div3A_36, %add3A_56 : vector<512x1xf32>
    %mul3A_63 = vector.broadcast %div3A_62 : vector<512x1xf32> to vector<512x64xf32>
    %mul3A_64 = arith.mulf %slice3A_61, %mul3A_63 : vector<512x64xf32>
    %add3A_65 = arith.addf %mul3A_60, %mul3A_64 : vector<512x64xf32>
    %slice3A_66 = vector.extract_strided_slice %get3A_1 {offsets = [0, 256], sizes = [512, 64], strides = [1, 1]} : vector<512x384xf32> to vector<512x64xf32>
    %div3A_67 = arith.divf %div3A_54, %add3A_56 : vector<512x1xf32>
    %mul3A_68 = vector.broadcast %div3A_67 : vector<512x1xf32> to vector<512x64xf32>
    %mul3A_69 = arith.mulf %slice3A_66, %mul3A_68 : vector<512x64xf32>
    %add3A_70 = arith.addf %add3A_65, %mul3A_69 : vector<512x64xf32>
    %swap3A = arith.constant 0 : index
    %swap3A_71 = arith.constant 0 : index
    %swap3A_72 = vector.load %arg3[%swap3A, %swap3A_71] : memref<512x64xf32, #tpu.memory_space<vmem>>, vector<512x64xf32>
    tpu.vector_store %arg3[%swap3A, %swap3A_71], %add3A_70 {strides = array<i32>} : memref<512x64xf32, #tpu.memory_space<vmem>>, vector<512x64xf32>,
    return
  }
  func.func @transform_0(%arg0: i32) -> (i32, i32) {
    %c0_i32 = arith.constant 0 : i32
    %c0_i32_0 = arith.constant 0 : i32
    return %arg0, %c0_i32 : i32, i32
  }
  func.func @transform_1(%arg0: i32) -> (i32, i32) {
    %c0_i32 = arith.constant 0 : i32
    %c0_i32_0 = arith.constant 0 : i32
    return %arg0, %c0_i32 : i32, i32
  }
  func.func @transform_2(%arg0: i32) -> (i32, i32) {
    %c0_i32 = arith.constant 0 : i32
    %c0_i32_0 = arith.constant 0 : i32
    return %arg0, %c0_i32 : i32, i32
  }
}

</mosaic_0001>

<sc_bundles>
// kernel: kernel.6.cloned.1.call-start
scs
__scs_entry_jumppad:
0x0: {  	(pc) =	sbr.rel $0x88, $3  }
0x1: {  	(tag) =	ssettag $0x0;
	lr =	simm.s32 $0x1  }
0x2: {  	[smem:$0x3F9D] =	sst lr;
	_ =	strace $0xD0000000  }
0x3: {  	_ = 	snop  }
0x4: {  	_ = 	snop  }
0x5: {  	_ = 	snop  }
0x6: {  	_ = 	snop  }
0x7: {  	_ = 	snop  }
__scs_overlays_trampoline_lowered:
0x8: {  	[smem:$0x3FAC] =	sst s0  }
0x9: {  	[smem:$0x3FAD] =	sst s1  }
0xa: {  	[smem:$0x3FAE] =	sst s2  }
0xb: {  	[smem:$0x3FAF] =	sst s3  }
0xc: {  	[smem:$0x3FB0] =	sst s4  }
0xd: {  	[smem:$0x3FB1] =	sst s5  }
0xe: {  	[smem:$0x3FB2] =	sst s6  }
0xf: {  	[smem:$0x3FB3] =	sst s7  }
0x10: {  	[smem:$0x3FB4] =	sst s8  }
0x11: {  	[smem:$0x3FB5] =	sst s9;
	s0 =	simm.s32 @!p0 $0x0  }
0x12: {  	s1 =	sld [smem:$0x3F9B];
	s0 =	simm.s32 @p0 $0x1  }
0x13: {  	[smem:$0x3FB6] =	sst s0;
	s0 =	simm.s32 @!p1 $0x0  }
0x14: {  	s2 =	sld [smem:$0x3F9A];
	s0 =	simm.s32 @p1 $0x1  }
0x15: {  	[smem:$0x3FB7] =	sst s0;
	s0 =	simm.s32 @!p2 $0x0  }
0x16: {  	s3 =	sld [smem:$0x3FDB];
	s0 =	simm.s32 @p2 $0x1  }
0x17: {  	s4 =	simm.s32 $0x1BF5;
	[smem:$0x3FB9] =	sst s0  }
0x18: {  	s0 =	sld [smem:$0x3F9C];
	_ =	swait.ge [sflag:s4], $0x0  }
0x19: {  	s7 =	sld [smem:$0x3F9D]  }
0x1a: {  	s8 =	sadd.s32 $0xFFFFE003, lr  }
0x1b: {  	s9 =	sadd.s32 $0xFFFFFEF7, lr;
	s5 =	simm.s32 $0xFFFFFFFF;
	p2 =	slt.u32 s8, $0xFFFFF086  }
0x1c: {  	p1 =	slt.u32 s9, $0xF7A;
	s5 =	simm.s32 @!p2 $0x0  }
0x1d: {  	s5 =	simm.s32 @p1 $0x1;
	p0 =	seq.s32 s7, s2  }
0x1e: {  	s7 =	smul.u32 @!p0 $0xF7A, s2;
	p2 =	seq.s32 @!p0 s5, $0x0  }
0x1f: {  	s9 =	smul.u32 $0xF7A, s1;
	s8 =	simm.s32 @!p0 $0x1BF5;
	p2 =	por !p2, p0  }
0x20: {  	[sflag:s8] =	ssyncset.s32 @!p0 $0xFFFFF086;
	s6 =	sadd.s32 @!p0 s3, s7;
	s7 =	simm.s32 @!p0 $0x108  }
0x21: {  	s3 =	sadd.s32 s3, s9;
	s6 =	sadd.s32 @!p0 $0x88, s6;
	s7 =	simm.s32 @p2 $0x1082  }
0x22: {  	[simem:s7], [sflag:s8] =	dma.local @!p0 [hbm:s6], $0xF7A  }
0x23: {  	s9 =	sor.u32 $0xD0000000, s2;
	s6 =	simm.s32 $0x108;
	_ =	swait.ge @!p0 [sflag:s8], $0x0  }
0x24: {  	s3 =	sadd.s32 $0x88, s3;
	s6 =	simm.s32 @!p1 $0x1082;
	[sflag:s4] =	ssyncset.s32 $0xFFFFF086  }
0x25: {  	[simem:s6], [sflag:s4] =	dma.local [hbm:s3], $0xF7A  }
0x26: {  	[smem:$0x3F9D] =	sst s1;
	(tag) =	ssettag s2;
	_ =	strace s9  }
0x27: {  	s1 =	sld [smem:$0x3FAD]  }
0x28: {  	s2 =	sld [smem:$0x3FAE]  }
0x29: {  	s4 =	sld [smem:$0x3FB0]  }
0x2a: {  	p0 =	seq.s32 s5, $0x0;
	s5 =	sld [smem:$0x3FB1]  }
0x2b: {  	s6 =	sld [smem:$0x3FB2]  }
0x2c: {  	s7 =	sld [smem:$0x3FB3]  }
0x2d: {  	s3 =	simm.s32 $0x108;
	s8 =	sld [smem:$0x3FB4]  }
0x2e: {  	s3 =	simm.s32 @!p0 $0x1082;
	s9 =	sld [smem:$0x3FB5]  }
0x2f: {  	lr =	sadd.s32 s0, s3;
	s0 =	sld [smem:$0x3FAC]  }
0x30: {  	s3 =	sld [smem:$0x3FAF]  }
0x31: {  	[smem:$0x3FB8] =	sst s10  }
0x32: {  	s10 =	sld [smem:$0x3FB6];
	_ =	sdelay $0x3  }
0x33: {  	p0 =	seq.s32 s10, $0x1;
	s10 =	sld [smem:$0x3FB8];
	_ =	sdelay $0x3  }
0x34: {  	[smem:$0x3FB8] =	sst s10  }
0x35: {  	s10 =	sld [smem:$0x3FB7];
	_ =	sdelay $0x3  }
0x36: {  	p1 =	seq.s32 s10, $0x1;
	s10 =	sld [smem:$0x3FB8];
	_ =	sdelay $0x3  }
0x37: {  	[smem:$0x3FB8] =	sst s10  }
0x38: {  	s10 =	sld [smem:$0x3FB9]  }
0x39: {  	_ = 	snop;
	(pc) =	sbr.ind lr, $3  }
0x3a: {  	_ = 	snop  }
0x3b: {  	_ = 	snop  }
0x3c: {  	p2 =	seq.s32 s10, $0x1;
	s10 =	sld [smem:$0x3FB8]  }
0x3d: {  	_ =	shalt  }
0x3e: {  	_ =	shalt  }
0x3f: {  	_ =	shalt  }
0x40: {  	_ =	shalt  }
0x41: {  	_ =	shalt  }
0x42: {  	_ =	shalt  }
0x43: {  	_ =	shalt  }
0x44: {  	_ =	shalt  }
0x45: {  	_ =	shalt  }
0x46: {  	_ =	shalt  }
0x47: {  	_ =	shalt  }
0x48: {  	_ =	shalt  }
0x49: {  	_ =	shalt  }
0x4a: {  	_ =	shalt  }
0x4b: {  	_ =	shalt  }
0x4c: {  	_ =	shalt  }
0x4d: {  	_ =	shalt  }
0x4e: {  	_ =	shalt  }
0x4f: {  	_ =	shalt  }
0x50: {  	_ =	shalt  }
0x51: {  	_ =	shalt  }
0x52: {  	_ =	shalt  }
0x53: {  	_ =	shalt  }
0x54: {  	_ =	shalt  }
0x55: {  	_ =	shalt  }
0x56: {  	_ =	shalt  }
0x57: {  	_ =	shalt  }
0x58: {  	_ =	shalt  }
0x59: {  	_ =	shalt  }
0x5a: {  	_ =	shalt  }
0x5b: {  	_ =	shalt  }
0x5c: {  	_ =	shalt  }
0x5d: {  	_ =	shalt  }
0x5e: {  	_ =	shalt  }
0x5f: {  	_ =	shalt  }
0x60: {  	_ =	shalt  }
0x61: {  	_ =	shalt  }
0x62: {  	_ =	shalt  }
0x63: {  	_ =	shalt  }
0x64: {  	_ =	shalt  }
0x65: {  	_ =	shalt  }
0x66: {  	_ =	shalt  }
0x67: {  	_ =	shalt  }
0x68: {  	_ =	shalt  }
0x69: {  	_ =	shalt  }
0x6a: {  	_ =	shalt  }
0x6b: {  	_ =	shalt  }
0x6c: {  	_ =	shalt  }
0x6d: {  	_ =	shalt  }
0x6e: {  	_ =	shalt  }
0x6f: {  	_ =	shalt  }
0x70: {  	_ =	shalt  }
0x71: {  	_ =	shalt  }
0x72: {  	_ =	shalt  }
0x73: {  	_ =	shalt  }
0x74: {  	_ =	shalt  }
0x75: {  	_ =	shalt  }
0x76: {  	_ =	shalt  }
0x77: {  	_ =	shalt  }
0x78: {  	_ =	shalt  }
0x79: {  	_ =	shalt  }
0x7a: {  	_ =	shalt  }
0x7b: {  	_ =	shalt  }
0x7c: {  	_ =	shalt  }
0x7d: {  	_ =	shalt  }
0x7e: {  	_ =	shalt  }
0x7f: {  	_ =	shalt  }
0x80: {  	_ =	shalt  }
0x81: {  	_ =	shalt  }
0x82: {  	_ =	shalt  }
0x83: {  	_ =	shalt  }
0x84: {  	_ =	shalt  }
0x85: {  	_ =	shalt  }
0x86: {  	_ =	shalt  }
0x87: {  	_ =	shalt  }
.Lfunc_end0:
.L_simem_size_0:
called_computation_lowered:
.L_overlay_start_0:
0x88: {  	s2 =	sld [smem:$0x3FD9]  }
0x89: {  	s3 =	sld [smem:$0x3FFE];
	_ =	sdelay $0x1  }
0x8a: {  	s1 =	srdreg.scid  }
0x8b: {  	s0 =	sand.u32 $0x1, s1  }
0x8c: {  	s14 =	sshll.u32 s0, $0xA;
	s2 =	sadd.s32 s3, s2  }
0x8d: {  	s2 =	sadd.s32 s2, s14  }
0x8e: {  	[smem:$0x3FC4] =	sst s2  }
0x8f: {  	_ = 	snop  }
0x90: {  	s2 =	sld [smem:$0x3FD0];
	_ =	sdelay $0x2  }
0x91: {  	s15 =	simm.s32 $0xA;
	s4 =	simm.s32 $0x10  }
0x92: {  	[smem:s4], [sflag:s15] =	dma.local [hbm:s2], $0x1  }
0x93: {  	_ =	swait.eq [sflag:s15], $0x1  }
0x94: {  	[sflag:s15] =	ssyncset.done $0x0  }
0x95: {  	[sflag:s15] =	ssyncadd.s32 $0xFFFFFFFF  }
0x96: {  	s16 =	sld [smem:$0x10];
	(tm) =	ssettm $0x1  }
0x97: {  	s17 =	sld [smem:$0x3FFB];
	_ =	sdelay $0x3  }
0x98: {  	_ =	strace s17  }
0x99: {  	s3 =	sld [smem:$0x3FFC];
	_ =	sdelay $0x3  }
0x9a: {  	_ =	strace s3  }
0x9b: {  	s3 =	sld [smem:$0x3FFD];
	_ =	sdelay $0x3  }
0x9c: {  	_ =	strace s3  }
0x9d: {  	_ =	strace $0x8FFFFFFF  }
0x9e: {  	s18 =	sld [smem:$0x3FDB];
	_ =	sdelay $0x1  }
0x9f: {  	s19 =	simm.s32 $_scs_section_size  }
0xa0: {  	s5 =	simm.s32 $_size__tile_overlayer_lowered;
	s6 =	simm.s32 $_tile_overlayer_lowered  }
0xa1: {  	s22 =	simm.s32 $0x1BFF;
	s21 =	sshll.u32 s6, $0x1;
	s3 =	sadd.s32 s19, s18  }
0xa2: {  	s7 =	simm.s32 $0x0;
	s20 =	sshll.u32 s5, $0x1;
	s5 =	sadd.s32 s21, s3  }
0xa3: {  	[timem:s7], [sflag:s22] =	dma.local [hbm:s5], s20  }
0xa4: {  	_ =	swait.ge [sflag:s22], s20  }
0xa5: {  	s4 =	ssub.s32 $0x0, s20;
	[sflag:s22] =	ssyncset.done $0x0  }
0xa6: {  	[sflag:s22] =	ssyncadd.s32 s4;
	_ =	sdelay $0x1  }
0xa7: {  	s23 =	simm.s32 $0x1B8B  }
0xa8: {  	_ =	swait.ge [sflag:s23], $0x1  }
0xa9: {  	[sflag:s23] =	ssyncset.done $0x0  }
0xaa: {  	s25 =	simm.s32 $0x1B8E;
	s24 =	sld [smem:$0x3FFE];
	[sflag:s23] =	ssyncadd.s32 $0xFFFFFFFF  }
0xab: {  	s26 =	simm.s32 $execute0_lowered;
	[smem:$0x3FD2] =	sst s25  }
0xac: {  	s5 =	sshll.u32 s26, $0x1;
	_ =	strace $0x80000046;
	[dreg:$0x1] =	wrdreg $0xFFFFFFFF  }
0xad: {  	s28 =	simm.s32 $_size_execute0_lowered;
	s3 =	sadd.s32 s3, s5;
	[dreg:$0x0] =	wrdreg $0x0  }
0xae: {  	s5 =	sshll.u32 s28, $0x1;
	[dreg:$0x2] =	wrdreg s3  }
0xaf: {  	[dreg:$0x3] =	wrdreg s5  }
0xb0: {  	[dreg:$0x4] =	wrdreg $0xC0  }
0xb1: {  	_ =	task [dreg:s7], $0x5FFFF  }
0xb2: {  	[dreg:$0x1] =	wrdreg $0xFFFFFFFF  }
0xb3: {  	[dreg:$0x0] =	wrdreg $0x60  }
0xb4: {  	[dreg:$0x2] =	wrdreg s24  }
0xb5: {  	[dreg:$0x3] =	wrdreg s16  }
0xb6: {  	[dreg:$0x4] =	wrdreg $0x9  }
0xb7: {  	_ =	task.clear_ibuf [dreg:s7], $0x5FFFF;
	_ =	strace $0x90000046  }
0xb8: {  	s29 =	simm.s32 $0x9;
	_ =	strace $0x80000048  }
0xb9: {  	_ =	swait.ge [sflag:s29], $0x1  }
0xba: {  	[sflag:s29] =	ssyncadd.s32 $0xFFFFFFFF  }
0xbb: {  	_ =	strace $0x90000048  }
0xbc: {  	_ =	sfence  }
0xbd: {  	s30 =	sld [smem:$0x0];
	_ =	sdelay $0x2  }
0xbe: {  	s31 =	sshll.u32 s1, $0xD;
	s1 =	sshrl.u32 s1, $0x2  }
0xbf: {  	s3 =	sand.u32 $0x4000, s31;
	s1 =	sadd.s32 s1, s30  }
0xc0: {  	s0 =	sor.u32 s3, s0;
	s1 =	sshll.u32 s1, $0x11  }
0xc1: {  	s0 =	sor.u32 s1, s0  }
0xc2: {  	s0 =	sadd.s32 $0x8F2B, s0  }
0xc3: {  	[sflag:s0] =	ssyncadd.remote.s32 $0x1  }
0xc4: {  	_ =	sfence.sel $0xFFFF  }
0xc5: {  	[dreg:$0x0] =	wrdreg $0xFFFFFFFF;
	(pc) =	sbr.abs _section_cstart, $3  }
0xc6: {  	[dreg:$0x1] =	wrdreg $0xFFFFFFFF  }
0xc7: {  	_ =	task.clear_ibuf [dreg:s7], $0x2FFFF;
	_ =	strace $0x9FFFFFFF  }
0xc8: {  	(tm) =	ssettm $0x7FFFFFFF  }
0xc9: {  	_ =	shalt  }
tec
execute0_lowered:
.L_overlay_start_1:
0x0: {  	(tag) =	ssettag $0x1  }
0x1: {  	s1 =	srdreg.scid;
	s0 =	stileid.u32  }
0x2: {  	s23 =	sand.u32 $0x1, s1;
	s26 =	sshll.u32 s0, $0x1  }
0x3: {  	s9 =	rddreg [dreg:$0x0];
	s10 =	sor.u32 s23, s26  }
0x4: {  	s22 =	rddreg [dreg:$0x1];
	s24 =	smul.u32 $0x3C0, s10  }
0x5: {  	s2 =	simm.s32 $0x0;
	s1 =	rddreg [dreg:$0x2]  }
0x6: {  	[smem:$0x7FF] =	sst s2;
	s3 =	sshrl.u32 s24, $0x3  }
0x7: {  	_ =	strace $0x80000047;
	s4 =	sadd.s32 s22, s3;
	s3 =	simm.s32 $0x2  }
0x8: {  	[tilespmem:s2], [sflag:$0x2] =	stream.linear.gather [hbm4b:s4+s2], $0x78, $0x38;
	[tilespmem:$0x3C80] =	vst v63  }
0x9: {  	_ =	swait.ge [sflag:s3], $0x78  }
0xa: {  	s6 =	simm.s32 $0x78;
	s7 =	simm.s32 $0x80;
	[sflag:s3] =	ssyncset.done $0x0  }
0xb: {  	s8 =	simm.s32 $0x1;
	s5 =	sadd.s32 $0xC00, s9;
	[sflag:s3] =	ssyncadd.s32 $0xFFFFFF88  }
0xc: {  	[tilespmem:s7], [sflag:$0x1] =	stream.indirect.gather [hbm4b:s5+s6], $0x80, s2, s6, $0xb8;
	[tilespmem:$0x3C80] =	vst v63  }
0xd: {  	s10 =	smul.u32 $0x3C00, s10;
	_ =	swait.ge [sflag:s8], $0x3C00  }
0xe: {  	s25 =	sadd.s32 $0x27E00, s9;
	[sflag:s8] =	ssyncset.done $0x0  }
0xf: {  	s9 =	sadd.s32 s25, s10;
	[sflag:s8] =	ssyncadd.s32 $0xFFFFC400  }
0x10: {  	[hbm4b:s9+s2] =	stream.linear.scatter [tilespmem:s7], [sflag:$0x2], $0x3C00, $0x38;
	[tilespmem:$0x3C80] =	vst v63  }
0x11: {  	s11 =	sadd.s32 $0x78, s24;
	_ =	swait.ge [sflag:s3], $0x3C00  }
0x12: {  	s28 =	sshrl.u32 s11, $0x3;
	[sflag:s3] =	ssyncset.done $0x0  }
0x13: {  	s10 =	sadd.s32 s22, s28;
	[sflag:s3] =	ssyncadd.s32 $0xFFFFC400  }
0x14: {  	[tilespmem:s2], [sflag:$0x2] =	stream.linear.gather [hbm4b:s10+s2], $0x78, $0x38;
	[tilespmem:$0x3C80] =	vst v63  }
0x15: {  	_ =	swait.ge [sflag:s3], $0x78  }
0x16: {  	[sflag:s3] =	ssyncset.done $0x0  }
0x17: {  	[sflag:s3] =	ssyncadd.s32 $0xFFFFFF88  }
0x18: {  	[tilespmem:s7], [sflag:$0x1] =	stream.indirect.gather [hbm4b:s5+s6], $0x80, s2, s6, $0xb8;
	[tilespmem:$0x3C80] =	vst v63  }
0x19: {  	_ =	swait.ge [sflag:s8], $0x3C00  }
0x1a: {  	s11 =	sshll.u32 s11, $0x4;
	[sflag:s8] =	ssyncset.done $0x0  }
0x1b: {  	s11 =	sadd.s32 s25, s11;
	[sflag:s8] =	ssyncadd.s32 $0xFFFFC400  }
0x1c: {  	[hbm4b:s11+s2] =	stream.linear.scatter [tilespmem:s7], [sflag:$0x2], $0x3C00, $0x38;
	[tilespmem:$0x3C80] =	vst v63  }
0x1d: {  	s13 =	sadd.s32 $0xF0, s24;
	_ =	swait.ge [sflag:s3], $0x3C00  }
0x1e: {  	s12 =	sshrl.u32 s13, $0x3;
	[sflag:s3] =	ssyncset.done $0x0  }
0x1f: {  	s12 =	sadd.s32 s22, s12;
	[sflag:s3] =	ssyncadd.s32 $0xFFFFC400  }
0x20: {  	[tilespmem:s2], [sflag:$0x2] =	stream.linear.gather [hbm4b:s12+s2], $0x78, $0x38;
	[tilespmem:$0x3C80] =	vst v63  }
0x21: {  	_ =	swait.ge [sflag:s3], $0x78  }
0x22: {  	[sflag:s3] =	ssyncset.done $0x0  }
0x23: {  	[sflag:s3] =	ssyncadd.s32 $0xFFFFFF88  }
0x24: {  	[tilespmem:s7], [sflag:$0x1] =	stream.indirect.gather [hbm4b:s5+s6], $0x80, s2, s6, $0xb8;
	[tilespmem:$0x3C80] =	vst v63  }
0x25: {  	_ =	swait.ge [sflag:s8], $0x3C00  }
0x26: {  	s13 =	sshll.u32 s13, $0x4;
	[sflag:s8] =	ssyncset.done $0x0  }
0x27: {  	s13 =	sadd.s32 s25, s13;
	[sflag:s8] =	ssyncadd.s32 $0xFFFFC400  }
0x28: {  	[hbm4b:s13+s2] =	stream.linear.scatter [tilespmem:s7], [sflag:$0x2], $0x3C00, $0x38;
	[tilespmem:$0x3C80] =	vst v63  }
0x29: {  	s15 =	sadd.s32 $0x168, s24;
	_ =	swait.ge [sflag:s3], $0x3C00  }
0x2a: {  	s14 =	sshrl.u32 s15, $0x3;
	[sflag:s3] =	ssyncset.done $0x0  }
0x2b: {  	s14 =	sadd.s32 s22, s14;
	[sflag:s3] =	ssyncadd.s32 $0xFFFFC400  }
0x2c: {  	[tilespmem:s2], [sflag:$0x2] =	stream.linear.gather [hbm4b:s14+s2], $0x78, $0x38;
	[tilespmem:$0x3C80] =	vst v63  }
0x2d: {  	_ =	swait.ge [sflag:s3], $0x78  }
0x2e: {  	[sflag:s3] =	ssyncset.done $0x0  }
0x2f: {  	[sflag:s3] =	ssyncadd.s32 $0xFFFFFF88  }
0x30: {  	[tilespmem:s7], [sflag:$0x1] =	stream.indirect.gather [hbm4b:s5+s6], $0x80, s2, s6, $0xb8;
	[tilespmem:$0x3C80] =	vst v63  }
0x31: {  	_ =	swait.ge [sflag:s8], $0x3C00  }
0x32: {  	s15 =	sshll.u32 s15, $0x4;
	[sflag:s8] =	ssyncset.done $0x0  }
0x33: {  	s15 =	sadd.s32 s25, s15;
	[sflag:s8] =	ssyncadd.s32 $0xFFFFC400  }
0x34: {  	[hbm4b:s15+s2] =	stream.linear.scatter [tilespmem:s7], [sflag:$0x2], $0x3C00, $0x38;
	[tilespmem:$0x3C80] =	vst v63  }
0x35: {  	s17 =	sadd.s32 $0x1E0, s24;
	_ =	swait.ge [sflag:s3], $0x3C00  }
0x36: {  	s16 =	sshrl.u32 s17, $0x3;
	[sflag:s3] =	ssyncset.done $0x0  }
0x37: {  	s16 =	sadd.s32 s22, s16;
	[sflag:s3] =	ssyncadd.s32 $0xFFFFC400  }
0x38: {  	[tilespmem:s2], [sflag:$0x2] =	stream.linear.gather [hbm4b:s16+s2], $0x78, $0x38;
	[tilespmem:$0x3C80] =	vst v63  }
0x39: {  	_ =	swait.ge [sflag:s3], $0x78  }
0x3a: {  	[sflag:s3] =	ssyncset.done $0x0  }
0x3b: {  	[sflag:s3] =	ssyncadd.s32 $0xFFFFFF88  }
0x3c: {  	[tilespmem:s7], [sflag:$0x1] =	stream.indirect.gather [hbm4b:s5+s6], $0x80, s2, s6, $0xb8;
	[tilespmem:$0x3C80] =	vst v63  }
0x3d: {  	_ =	swait.ge [sflag:s8], $0x3C00  }
0x3e: {  	s17 =	sshll.u32 s17, $0x4;
	[sflag:s8] =	ssyncset.done $0x0  }
0x3f: {  	s17 =	sadd.s32 s25, s17;
	[sflag:s8] =	ssyncadd.s32 $0xFFFFC400  }
0x40: {  	[hbm4b:s17+s2] =	stream.linear.scatter [tilespmem:s7], [sflag:$0x2], $0x3C00, $0x38;
	[tilespmem:$0x3C80] =	vst v63  }
0x41: {  	s19 =	sadd.s32 $0x258, s24;
	_ =	swait.ge [sflag:s3], $0x3C00  }
0x42: {  	s18 =	sshrl.u32 s19, $0x3;
	[sflag:s3] =	ssyncset.done $0x0  }
0x43: {  	s18 =	sadd.s32 s22, s18;
	[sflag:s3] =	ssyncadd.s32 $0xFFFFC400  }
0x44: {  	[tilespmem:s2], [sflag:$0x2] =	stream.linear.gather [hbm4b:s18+s2], $0x78, $0x38;
	[tilespmem:$0x3C80] =	vst v63  }
0x45: {  	_ =	swait.ge [sflag:s3], $0x78  }
0x46: {  	[sflag:s3] =	ssyncset.done $0x0  }
0x47: {  	[sflag:s3] =	ssyncadd.s32 $0xFFFFFF88  }
0x48: {  	[tilespmem:s7], [sflag:$0x1] =	stream.indirect.gather [hbm4b:s5+s6], $0x80, s2, s6, $0xb8;
	[tilespmem:$0x3C80] =	vst v63  }
0x49: {  	_ =	swait.ge [sflag:s8], $0x3C00  }
0x4a: {  	s19 =	sshll.u32 s19, $0x4;
	[sflag:s8] =	ssyncset.done $0x0  }
0x4b: {  	s19 =	sadd.s32 s25, s19;
	[sflag:s8] =	ssyncadd.s32 $0xFFFFC400  }
0x4c: {  	[hbm4b:s19+s2] =	stream.linear.scatter [tilespmem:s7], [sflag:$0x2], $0x3C00, $0x38;
	[tilespmem:$0x3C80] =	vst v63  }
0x4d: {  	s21 =	sadd.s32 $0x2D0, s24;
	_ =	swait.ge [sflag:s3], $0x3C00  }
0x4e: {  	s20 =	sshrl.u32 s21, $0x3;
	[sflag:s3] =	ssyncset.done $0x0  }
0x4f: {  	s20 =	sadd.s32 s22, s20;
	[sflag:s3] =	ssyncadd.s32 $0xFFFFC400  }
0x50: {  	[tilespmem:s2], [sflag:$0x2] =	stream.linear.gather [hbm4b:s20+s2], $0x78, $0x38;
	[tilespmem:$0x3C80] =	vst v63  }
0x51: {  	_ =	swait.ge [sflag:s3], $0x78  }
0x52: {  	[sflag:s3] =	ssyncset.done $0x0  }
0x53: {  	[sflag:s3] =	ssyncadd.s32 $0xFFFFFF88  }
0x54: {  	[tilespmem:s7], [sflag:$0x1] =	stream.indirect.gather [hbm4b:s5+s6], $0x80, s2, s6, $0xb8;
	[tilespmem:$0x3C80] =	vst v63  }
0x55: {  	_ =	swait.ge [sflag:s8], $0x3C00  }
0x56: {  	s21 =	sshll.u32 s21, $0x4;
	[sflag:s8] =	ssyncset.done $0x0  }
0x57: {  	s21 =	sadd.s32 s25, s21;
	[sflag:s8] =	ssyncadd.s32 $0xFFFFC400  }
0x58: {  	[hbm4b:s21+s2] =	stream.linear.scatter [tilespmem:s7], [sflag:$0x2], $0x3C00, $0x38;
	[tilespmem:$0x3C80] =	vst v63  }
0x59: {  	s24 =	sadd.s32 $0x348, s24;
	_ =	swait.ge [sflag:s3], $0x3C00  }
0x5a: {  	s26 =	sshrl.u32 s24, $0x3;
	[sflag:s3] =	ssyncset.done $0x0  }
0x5b: {  	s23 =	ssub.s32 $0x2, s23;
	s22 =	sadd.s32 s22, s26;
	[sflag:s3] =	ssyncadd.s32 $0xFFFFC400  }
0x5c: {  	[tilespmem:s2], [sflag:$0x2] =	stream.linear.gather [hbm4b:s22+s2], $0x78, $0x38;
	[tilespmem:$0x3C80] =	vst v63  }
0x5d: {  	s29 =	sshrl.u32 s23, $0x1;
	_ =	swait.ge [sflag:s3], $0x78  }
0x5e: {  	s26 =	ssub.s32 s23, s29;
	[sflag:s3] =	ssyncset.done $0x0  }
0x5f: {  	s31 =	smax.u32 s26, $0x1;
	[sflag:s3] =	ssyncadd.s32 $0xFFFFFF88  }
0x60: {  	[tilespmem:s7], [sflag:$0x1] =	stream.indirect.gather [hbm4b:s5+s6], $0x80, s2, s6, $0xb8;
	[tilespmem:$0x3C80] =	vst v63  }
0x61: {  	p0 =	sne.s32 s31, $0x1;
	_ =	swait.ge [sflag:s8], $0x3C00  }
.Ltmp0:
0x62: {  	s30 =	sshll.u32 s24, $0x4;
	[sflag:s8] =	ssyncset.done $0x0;
	(pc) =	sbr.rel @!p0 .LBB2_2-.Ltmp0, $4  }
0x63: {  	s23 =	sadd.s32 s25, s30;
	[sflag:s8] =	ssyncadd.s32 $0xFFFFC400  }
0x64: {  	[hbm4b:s23+s2] =	stream.linear.scatter [tilespmem:s7], [sflag:$0x2], $0x3C00, $0x38;
	[tilespmem:$0x3C80] =	vst v63  }
0x65: {  	_ =	swait.ge [sflag:s3], $0x3C00  }
0x66: {  	s24 =	sadd.s32 $0xFFFFFFFF, s31;
	[sflag:s3] =	ssyncset.done $0x0  }
.LBB2_1:
0x67: {  	p0 =	sne.s32 s24, $0x1;
	s24 =	sadd.s32 $0xFFFFFFFF, s24;
	[sflag:s3] =	ssyncadd.s32 $0xFFFFC400  }
0x68: {  	[tilespmem:s2], [sflag:$0x2] =	stream.linear.gather [hbm4b:s4+s2], $0x78, $0x38;
	[tilespmem:$0x3C80] =	vst v63  }
0x69: {  	_ =	swait.ge [sflag:s3], $0x78  }
0x6a: {  	[sflag:s3] =	ssyncset.done $0x0  }
0x6b: {  	[sflag:s3] =	ssyncadd.s32 $0xFFFFFF88  }
0x6c: {  	[tilespmem:s7], [sflag:$0x1] =	stream.indirect.gather [hbm4b:s5+s6], $0x80, s2, s6, $0xb8;
	[tilespmem:$0x3C80] =	vst v63  }
0x6d: {  	_ =	swait.ge [sflag:s8], $0x3C00  }
0x6e: {  	[sflag:s8] =	ssyncset.done $0x0  }
0x6f: {  	[sflag:s8] =	ssyncadd.s32 $0xFFFFC400  }
0x70: {  	[hbm4b:s9+s2] =	stream.linear.scatter [tilespmem:s7], [sflag:$0x2], $0x3C00, $0x38;
	[tilespmem:$0x3C80] =	vst v63  }
0x71: {  	_ =	swait.ge [sflag:s3], $0x3C00  }
0x72: {  	[sflag:s3] =	ssyncset.done $0x0  }
0x73: {  	[sflag:s3] =	ssyncadd.s32 $0xFFFFC400  }
0x74: {  	[tilespmem:s2], [sflag:$0x2] =	stream.linear.gather [hbm4b:s10+s2], $0x78, $0x38;
	[tilespmem:$0x3C80] =	vst v63  }
0x75: {  	_ =	swait.ge [sflag:s3], $0x78  }
0x76: {  	[sflag:s3] =	ssyncset.done $0x0  }
0x77: {  	[sflag:s3] =	ssyncadd.s32 $0xFFFFFF88  }
0x78: {  	[tilespmem:s7], [sflag:$0x1] =	stream.indirect.gather [hbm4b:s5+s6], $0x80, s2, s6, $0xb8;
	[tilespmem:$0x3C80] =	vst v63  }
0x79: {  	_ =	swait.ge [sflag:s8], $0x3C00  }
0x7a: {  	[sflag:s8] =	ssyncset.done $0x0  }
0x7b: {  	[sflag:s8] =	ssyncadd.s32 $0xFFFFC400  }
0x7c: {  	[hbm4b:s11+s2] =	stream.linear.scatter [tilespmem:s7], [sflag:$0x2], $0x3C00, $0x38;
	[tilespmem:$0x3C80] =	vst v63  }
0x7d: {  	_ =	swait.ge [sflag:s3], $0x3C00  }
0x7e: {  	[sflag:s3] =	ssyncset.done $0x0  }
0x7f: {  	[sflag:s3] =	ssyncadd.s32 $0xFFFFC400  }
0x80: {  	[tilespmem:s2], [sflag:$0x2] =	stream.linear.gather [hbm4b:s12+s2], $0x78, $0x38;
	[tilespmem:$0x3C80] =	vst v63  }
0x81: {  	_ =	swait.ge [sflag:s3], $0x78  }
0x82: {  	[sflag:s3] =	ssyncset.done $0x0  }
0x83: {  	[sflag:s3] =	ssyncadd.s32 $0xFFFFFF88  }
0x84: {  	[tilespmem:s7], [sflag:$0x1] =	stream.indirect.gather [hbm4b:s5+s6], $0x80, s2, s6, $0xb8;
	[tilespmem:$0x3C80] =	vst v63  }
0x85: {  	_ =	swait.ge [sflag:s8], $0x3C00  }
0x86: {  	[sflag:s8] =	ssyncset.done $0x0  }
0x87: {  	[sflag:s8] =	ssyncadd.s32 $0xFFFFC400  }
0x88: {  	[hbm4b:s13+s2] =	stream.linear.scatter [tilespmem:s7], [sflag:$0x2], $0x3C00, $0x38;
	[tilespmem:$0x3C80] =	vst v63  }
0x89: {  	_ =	swait.ge [sflag:s3], $0x3C00  }
0x8a: {  	[sflag:s3] =	ssyncset.done $0x0  }
0x8b: {  	[sflag:s3] =	ssyncadd.s32 $0xFFFFC400  }
0x8c: {  	[tilespmem:s2], [sflag:$0x2] =	stream.linear.gather [hbm4b:s14+s2], $0x78, $0x38;
	[tilespmem:$0x3C80] =	vst v63  }
0x8d: {  	_ =	swait.ge [sflag:s3], $0x78  }
0x8e: {  	[sflag:s3] =	ssyncset.done $0x0  }
0x8f: {  	[sflag:s3] =	ssyncadd.s32 $0xFFFFFF88  }
0x90: {  	[tilespmem:s7], [sflag:$0x1] =	stream.indirect.gather [hbm4b:s5+s6], $0x80, s2, s6, $0xb8;
	[tilespmem:$0x3C80] =	vst v63  }
0x91: {  	_ =	swait.ge [sflag:s8], $0x3C00  }
0x92: {  	[sflag:s8] =	ssyncset.done $0x0  }
0x93: {  	[sflag:s8] =	ssyncadd.s32 $0xFFFFC400  }
0x94: {  	[hbm4b:s15+s2] =	stream.linear.scatter [tilespmem:s7], [sflag:$0x2], $0x3C00, $0x38;
	[tilespmem:$0x3C80] =	vst v63  }
0x95: {  	_ =	swait.ge [sflag:s3], $0x3C00  }
0x96: {  	[sflag:s3] =	ssyncset.done $0x0  }
0x97: {  	[sflag:s3] =	ssyncadd.s32 $0xFFFFC400  }
0x98: {  	[tilespmem:s2], [sflag:$0x2] =	stream.linear.gather [hbm4b:s16+s2], $0x78, $0x38;
	[tilespmem:$0x3C80] =	vst v63  }
0x99: {  	_ =	swait.ge [sflag:s3], $0x78  }
0x9a: {  	[sflag:s3] =	ssyncset.done $0x0  }
0x9b: {  	[sflag:s3] =	ssyncadd.s32 $0xFFFFFF88  }
0x9c: {  	[tilespmem:s7], [sflag:$0x1] =	stream.indirect.gather [hbm4b:s5+s6], $0x80, s2, s6, $0xb8;
	[tilespmem:$0x3C80] =	vst v63  }
0x9d: {  	_ =	swait.ge [sflag:s8], $0x3C00  }
0x9e: {  	[sflag:s8] =	ssyncset.done $0x0  }
0x9f: {  	[sflag:s8] =	ssyncadd.s32 $0xFFFFC400  }
0xa0: {  	[hbm4b:s17+s2] =	stream.linear.scatter [tilespmem:s7], [sflag:$0x2], $0x3C00, $0x38;
	[tilespmem:$0x3C80] =	vst v63  }
0xa1: {  	_ =	swait.ge [sflag:s3], $0x3C00  }
0xa2: {  	[sflag:s3] =	ssyncset.done $0x0  }
0xa3: {  	[sflag:s3] =	ssyncadd.s32 $0xFFFFC400  }
0xa4: {  	[tilespmem:s2], [sflag:$0x2] =	stream.linear.gather [hbm4b:s18+s2], $0x78, $0x38;
	[tilespmem:$0x3C80] =	vst v63  }
0xa5: {  	_ =	swait.ge [sflag:s3], $0x78  }
0xa6: {  	[sflag:s3] =	ssyncset.done $0x0  }
0xa7: {  	[sflag:s3] =	ssyncadd.s32 $0xFFFFFF88  }
0xa8: {  	[tilespmem:s7], [sflag:$0x1] =	stream.indirect.gather [hbm4b:s5+s6], $0x80, s2, s6, $0xb8;
	[tilespmem:$0x3C80] =	vst v63  }
0xa9: {  	_ =	swait.ge [sflag:s8], $0x3C00  }
0xaa: {  	[sflag:s8] =	ssyncset.done $0x0  }
0xab: {  	[sflag:s8] =	ssyncadd.s32 $0xFFFFC400  }
0xac: {  	[hbm4b:s19+s2] =	stream.linear.scatter [tilespmem:s7], [sflag:$0x2], $0x3C00, $0x38;
	[tilespmem:$0x3C80] =	vst v63  }
0xad: {  	_ =	swait.ge [sflag:s3], $0x3C00  }
0xae: {  	[sflag:s3] =	ssyncset.done $0x0  }
0xaf: {  	[sflag:s3] =	ssyncadd.s32 $0xFFFFC400  }
0xb0: {  	[tilespmem:s2], [sflag:$0x2] =	stream.linear.gather [hbm4b:s20+s2], $0x78, $0x38;
	[tilespmem:$0x3C80] =	vst v63  }
0xb1: {  	_ =	swait.ge [sflag:s3], $0x78  }
0xb2: {  	[sflag:s3] =	ssyncset.done $0x0  }
0xb3: {  	[sflag:s3] =	ssyncadd.s32 $0xFFFFFF88  }
0xb4: {  	[tilespmem:s7], [sflag:$0x1] =	stream.indirect.gather [hbm4b:s5+s6], $0x80, s2, s6, $0xb8;
	[tilespmem:$0x3C80] =	vst v63  }
0xb5: {  	_ =	swait.ge [sflag:s8], $0x3C00  }
0xb6: {  	[sflag:s8] =	ssyncset.done $0x0  }
0xb7: {  	[sflag:s8] =	ssyncadd.s32 $0xFFFFC400  }
0xb8: {  	[hbm4b:s21+s2] =	stream.linear.scatter [tilespmem:s7], [sflag:$0x2], $0x3C00, $0x38;
	[tilespmem:$0x3C80] =	vst v63  }
0xb9: {  	_ =	swait.ge [sflag:s3], $0x3C00  }
0xba: {  	[sflag:s3] =	ssyncset.done $0x0  }
0xbb: {  	[sflag:s3] =	ssyncadd.s32 $0xFFFFC400  }
0xbc: {  	[tilespmem:s2], [sflag:$0x2] =	stream.linear.gather [hbm4b:s22+s2], $0x78, $0x38;
	[tilespmem:$0x3C80] =	vst v63  }
0xbd: {  	_ =	swait.ge [sflag:s3], $0x78  }
0xbe: {  	[sflag:s3] =	ssyncset.done $0x0  }
0xbf: {  	[sflag:s3] =	ssyncadd.s32 $0xFFFFFF88  }
0xc0: {  	[tilespmem:s7], [sflag:$0x1] =	stream.indirect.gather [hbm4b:s5+s6], $0x80, s2, s6, $0xb8;
	[tilespmem:$0x3C80] =	vst v63  }
0xc1: {  	_ =	swait.ge [sflag:s8], $0x3C00  }
.Ltmp1:
0xc2: {  	[sflag:s8] =	ssyncset.done $0x0;
	(pc) =	sbr.rel @p0 .LBB2_1-.Ltmp1, $4  }
0xc3: {  	[sflag:s8] =	ssyncadd.s32 $0xFFFFC400  }
0xc4: {  	[hbm4b:s23+s2] =	stream.linear.scatter [tilespmem:s7], [sflag:$0x2], $0x3C00, $0x38;
	[tilespmem:$0x3C80] =	vst v63  }
0xc5: {  	_ =	swait.ge [sflag:s3], $0x3C00  }
0xc6: {  	[sflag:s3] =	ssyncset.done $0x0  }
.LBB2_2:
0xc7: {  	[sflag:s3] =	ssyncadd.s32 $0xFFFFC400  }
0xc8: {  	_ =	sfence.sel $0x180000  }
0xc9: {  	[bflag:$0x0] =	sbarrier.arrive $0xFFFF  }
0xca: {  	p0 =	sne.s32 s0, $0x0;
	_ =	strace $0x90000047  }
0xcb: {  	s0 =	sadd.s32 @!p0 $0x100000, s1;
	[bflag:$0x2] =	sbarrier.arrive $0xFFFF  }
0xcc: {  	[sflag:s0] =	ssyncadd.tile.s32 @!p0 $0x1;
	_ =	shalt  }
.Lfunc_end2:
_tile_overlayer_lowered:
.L_overlay_start_2:
0xcd: {  	(tag) =	ssettag $0x2  }
0xce: {  	s0 =	rddreg [dreg:$0x0];
	s2 =	stileid.u32  }
0xcf: {  	s1 =	rddreg [dreg:$0x1];
	p0 =	sne.s32 s2, $0x0  }
0xd0: {  	s3 =	rddreg [dreg:$0x2];
	[bflag:$0x3] =	sbarrier.arrive $0xFFFF;
	s2 =	simm.s32 @!p0 $0x1C02  }
0xd1: {  	[timem:s3], [sflag:s2] =	dma.local @!p0 [hbm:s0], s1  }
0xd2: {  	s0 =	simm.s32 @!p0 $0x2  }
0xd3: {  	_ =	swait.ge @!p0 [sflag:s0], s1  }
0xd4: {  	s1 =	ssub.s32 @!p0 $0x0, s1;
	[sflag:s0] =	ssyncset.done @!p0 $0x0  }
0xd5: {  	[sflag:s0] =	ssyncadd.s32 @!p0 s1  }
0xd6: {  	[bflag:$0x3] =	sbarrier.arrive $0xFFFF  }
0xd7: {  	_ =	shalt  }

</sc_bundles>
